<compile_context>
chip_gen: v7x
topology: tpu7x:2x2x1
jax: 0.10.2.dev20260603
libtpu: 0.0.44.dev20260713+nightly
codegen_flags: <defaults>
</compile_context>

<pallas_src>
import functools
import math

import jax
import jax.numpy as jnp
from jax.experimental import pallas as pl
from jax.experimental.pallas import tpu as pltpu

B = 1; S = 2048; D = 768; H = 12; DH = 64; FFN = 3072; E = 8; TOPK = 2
TM = 128
P = 5120
NT = P // TM
TS = 256
QT = 256
NEG = -1e9


def _ln_block(xb, g, b):
    m = jnp.mean(xb, axis=1, keepdims=True)
    v = jnp.mean((xb - m) ** 2, axis=1, keepdims=True)
    return (xb - m) / jnp.sqrt(v + 1e-5) * g + b


def _qkv_kernel(x_ref, g_ref, b_ref, wq_ref, bq_ref, wk_ref, bk_ref,
                wv_ref, bv_ref, sin_ref, cos_ref, q_ref, k_ref, v_ref):
    h = _ln_block(x_ref[...], g_ref[...], b_ref[...])
    qf = jnp.dot(h, wq_ref[...], preferred_element_type=jnp.float32) + bq_ref[...]
    kf = jnp.dot(h, wk_ref[...], preferred_element_type=jnp.float32) + bk_ref[...]
    vf = jnp.dot(h, wv_ref[...], preferred_element_type=jnp.float32) + bv_ref[...]
    sin = sin_ref[...]
    cos = cos_ref[...]
    for hh in range(H):
        qh = qf[:, hh * DH:(hh + 1) * DH]
        kh = kf[:, hh * DH:(hh + 1) * DH]
        q1, q2 = qh[:, :DH // 2], qh[:, DH // 2:]
        k1, k2 = kh[:, :DH // 2], kh[:, DH // 2:]
        q_ref[hh, :, :] = jnp.concatenate(
            [cos * q1 - sin * q2, sin * q1 + cos * q2], axis=1)
        k_ref[hh, :, :] = jnp.concatenate(
            [cos * k1 - sin * k2, sin * k1 + cos * k2], axis=1)
        v_ref[hh, :, :] = vf[:, hh * DH:(hh + 1) * DH]


def _attn_kernel(q_ref, k_ref, v_ref, o_ref):
    i = pl.program_id(1)
    q = q_ref[0]
    k = k_ref[0]
    v = v_ref[0]
    s = jax.lax.dot_general(q, k, (((1,), (1,)), ((), ())),
                            preferred_element_type=jnp.float32)
    s = s * jnp.float32(1.0 / math.sqrt(DH))
    row = jax.lax.broadcasted_iota(jnp.int32, (QT, S), 0) + i * QT
    col = jax.lax.broadcasted_iota(jnp.int32, (QT, S), 1)
    s = jnp.where(col <= row, s, NEG)
    m = jnp.max(s, axis=1, keepdims=True)
    p = jnp.exp(s - m)
    l = jnp.sum(p, axis=1, keepdims=True)
    o_ref[0] = jnp.dot(p / l, v, preferred_element_type=jnp.float32)


def _post_kernel(ao_ref, x_ref, wo_ref, bo_ref, g_ref, b_ref, wr_ref,
                 x1_ref, h2_ref, ti_ref, tw_ref, eu_ref, zl_ref):
    i = pl.program_id(0)
    ao = jnp.concatenate([ao_ref[hh] for hh in range(H)], axis=1)
    x1 = x_ref[...] + jnp.dot(ao, wo_ref[...],
                              preferred_element_type=jnp.float32) + bo_ref[...]
    x1_ref[...] = x1
    h2 = _ln_block(x1, g_ref[...], b_ref[...])
    h2_ref[...] = h2.astype(jnp.bfloat16)
    logits = jnp.dot(h2, wr_ref[...], preferred_element_type=jnp.float32)
    lm = jnp.max(logits, axis=1, keepdims=True)
    ex = jnp.exp(logits - lm)
    se = jnp.sum(ex, axis=1, keepdims=True)
    probs = ex / se
    lse = lm + jnp.log(se)
    iota8 = jax.lax.broadcasted_iota(jnp.int32, (TS, E), 1)
    v1 = jnp.max(probs, axis=1, keepdims=True)
    i1 = jnp.min(jnp.where(probs == v1, iota8, E), axis=1, keepdims=True)
    p2 = jnp.where(iota8 == i1, jnp.float32(-1.0), probs)
    v2 = jnp.max(p2, axis=1, keepdims=True)
    i2 = jnp.min(jnp.where(p2 == v2, iota8, E), axis=1, keepdims=True)
    wsum = v1 + v2 + 1e-8
    ti_ref[...] = jnp.concatenate([i1, i2], axis=1)
    tw_ref[...] = jnp.concatenate([v1 / wsum, v2 / wsum], axis=1)

    @pl.when(i == 0)
    def _():
        eu_ref[...] = jnp.zeros_like(eu_ref)
        zl_ref[...] = jnp.zeros_like(zl_ref)

    eu_ref[...] += jnp.sum(probs, axis=0, keepdims=True)
    zl_ref[0:1, 0:1] += jnp.sum(lse * lse).reshape(1, 1)


def _moe_kernel(te_ref, st_ref, h2_ref, w1_ref, b1_ref, w2_ref, b2_ref,
                w_ref, o_ref):
    st = st_ref[...]
    col = jax.lax.broadcasted_iota(jnp.int32, (TM, S), 1)
    onehot = (col == st).astype(jnp.bfloat16)
    xs = jnp.dot(onehot, h2_ref[...],
                 preferred_element_type=jnp.float32).astype(jnp.bfloat16)
    hmid = jnp.dot(xs, w1_ref[0], preferred_element_type=jnp.float32) + b1_ref[0]
    hmid = hmid * 0.5 * (1.0 + jax.lax.erf(hmid * jnp.float32(1.0 / math.sqrt(2.0))))
    out = jnp.dot(hmid.astype(jnp.bfloat16), w2_ref[0],
                  preferred_element_type=jnp.float32) + b2_ref[0]
    o_ref[...] = (out * w_ref[...]).astype(jnp.bfloat16)


def _combine_kernel(p0_ref, p1_ref, x1_ref, ffn_ref, y_ref):
    col = jax.lax.broadcasted_iota(jnp.int32, (TS, P), 1)
    oh = ((col == p0_ref[...]) | (col == p1_ref[...])).astype(jnp.bfloat16)
    y_ref[...] = x1_ref[...] + jnp.dot(oh, ffn_ref[...],
                                       preferred_element_type=jnp.float32)


def kernel(x, ln1_g, ln1_b, ln2_g, ln2_b, Wq, bq, Wk, bk, Wv, bv, Wo, bo,
           Wr, W1, b1, W2, b2):
    f32 = jnp.float32
    xs2 = x.reshape(S, D)
    row1 = lambda t: t.reshape(1, -1)

    pos_t = jnp.arange(S, dtype=f32)
    div_t = jnp.exp(jnp.arange(0, DH, 2, dtype=f32)
                    * -(jnp.log(10000.0) / DH))
    ang_t = pos_t[:, None] * div_t[None, :]
    sin_t = jnp.sin(ang_t)
    cos_t = jnp.cos(ang_t)

    q, k, v = pl.pallas_call(
        _qkv_kernel,
        grid=(S // TS,),
        in_specs=[
            pl.BlockSpec((TS, D), lambda i: (i, 0)),
            pl.BlockSpec((1, D), lambda i: (0, 0)),
            pl.BlockSpec((1, D), lambda i: (0, 0)),
            pl.BlockSpec((D, D), lambda i: (0, 0)),
            pl.BlockSpec((1, D), lambda i: (0, 0)),
            pl.BlockSpec((D, D), lambda i: (0, 0)),
            pl.BlockSpec((1, D), lambda i: (0, 0)),
            pl.BlockSpec((D, D), lambda i: (0, 0)),
            pl.BlockSpec((1, D), lambda i: (0, 0)),
            pl.BlockSpec((TS, DH // 2), lambda i: (i, 0)),
            pl.BlockSpec((TS, DH // 2), lambda i: (i, 0)),
        ],
        out_specs=[
            pl.BlockSpec((H, TS, DH), lambda i: (0, i, 0)),
            pl.BlockSpec((H, TS, DH), lambda i: (0, i, 0)),
            pl.BlockSpec((H, TS, DH), lambda i: (0, i, 0)),
        ],
        out_shape=[jax.ShapeDtypeStruct((H, S, DH), f32)] * 3,
    )(xs2, row1(ln1_g), row1(ln1_b), Wq, row1(bq), Wk, row1(bk), Wv, row1(bv),
      sin_t, cos_t)

    ao = pl.pallas_call(
        _attn_kernel,
        grid=(H, S // QT),
        in_specs=[
            pl.BlockSpec((1, QT, DH), lambda h, i: (h, i, 0)),
            pl.BlockSpec((1, S, DH), lambda h, i: (h, 0, 0)),
            pl.BlockSpec((1, S, DH), lambda h, i: (h, 0, 0)),
        ],
        out_specs=pl.BlockSpec((1, QT, DH), lambda h, i: (h, i, 0)),
        out_shape=jax.ShapeDtypeStruct((H, S, DH), f32),
    )(q, k, v)

    x1, h2, ti, tw, eu_sum, zl_sum = pl.pallas_call(
        _post_kernel,
        grid=(S // TS,),
        in_specs=[
            pl.BlockSpec((H, TS, DH), lambda i: (0, i, 0)),
            pl.BlockSpec((TS, D), lambda i: (i, 0)),
            pl.BlockSpec((D, D), lambda i: (0, 0)),
            pl.BlockSpec((1, D), lambda i: (0, 0)),
            pl.BlockSpec((1, D), lambda i: (0, 0)),
            pl.BlockSpec((1, D), lambda i: (0, 0)),
            pl.BlockSpec((D, E), lambda i: (0, 0)),
        ],
        out_specs=[
            pl.BlockSpec((TS, D), lambda i: (i, 0)),
            pl.BlockSpec((TS, D), lambda i: (i, 0)),
            pl.BlockSpec((TS, TOPK), lambda i: (i, 0)),
            pl.BlockSpec((TS, TOPK), lambda i: (i, 0)),
            pl.BlockSpec((1, E), lambda i: (0, 0)),
            pl.BlockSpec((1, E), lambda i: (0, 0)),
        ],
        out_shape=[
            jax.ShapeDtypeStruct((S, D), f32),
            jax.ShapeDtypeStruct((S, D), jnp.bfloat16),
            jax.ShapeDtypeStruct((S, TOPK), jnp.int32),
            jax.ShapeDtypeStruct((S, TOPK), f32),
            jax.ShapeDtypeStruct((1, E), f32),
            jax.ShapeDtypeStruct((1, E), f32),
        ],
    )(ao, xs2, Wo, row1(bo), row1(ln2_g), row1(ln2_b), Wr)

    i32 = jnp.int32
    flat_e = ti.reshape(-1)
    flat_w = tw.reshape(-1)
    order = jnp.argsort(flat_e).astype(i32)
    sorted_e = flat_e[order]
    counts = jnp.bincount(flat_e, length=E)
    cstart = jnp.cumsum(counts) - counts
    padded = ((counts + TM - 1) // TM) * TM
    cum_p = jnp.cumsum(padded)
    gstart = cum_p - padded
    jj = jnp.arange(S * TOPK, dtype=i32)
    dest = (gstart[sorted_e] + (jj - cstart[sorted_e])).astype(i32)
    pos_slot = jnp.zeros((S * TOPK,), i32).at[order].set(dest)
    src_tok = jnp.zeros((P,), i32).at[dest].set(order // TOPK)
    w_pad = jnp.zeros((P,), f32).at[dest].set(flat_w[order]).reshape(P, 1)
    tile_start = jnp.arange(NT, dtype=i32) * TM
    te = jnp.minimum(jnp.searchsorted(cum_p, tile_start, side='right'),
                     E - 1).astype(i32)

    glue = (w_pad.sum() + (pos_slot + src_tok[:4096] + 0 * te[0]).sum()
            .astype(f32))
    return ((x1 + glue * 0.0).reshape(B, S, D), eu_sum.sum() * 0.0,
            zl_sum.sum() * 0.0)
    ffn_out = pl.pallas_call(
        _moe_kernel,
        grid_spec=pltpu.PrefetchScalarGridSpec(
            num_scalar_prefetch=1,
            grid=(NT,),
            in_specs=[
                pl.BlockSpec((TM, 1), lambda i, te: (i, 0)),
                pl.BlockSpec((S, D), lambda i, te: (0, 0)),
                pl.BlockSpec((1, D, FFN), lambda i, te: (te[i], 0, 0)),
                pl.BlockSpec((1, 1, FFN), lambda i, te: (te[i], 0, 0)),
                pl.BlockSpec((1, FFN, D), lambda i, te: (te[i], 0, 0)),
                pl.BlockSpec((1, 1, D), lambda i, te: (te[i], 0, 0)),
                pl.BlockSpec((TM, 1), lambda i, te: (i, 0)),
            ],
            out_specs=pl.BlockSpec((TM, D), lambda i, te: (i, 0)),
        ),
        out_shape=jax.ShapeDtypeStruct((P, D), jnp.bfloat16),
    )(te, src_tok.reshape(P, 1), h2, W1.astype(jnp.bfloat16),
      b1.reshape(E, 1, FFN), W2.astype(jnp.bfloat16), b2.reshape(E, 1, D),
      w_pad)

    pos2 = pos_slot.reshape(S, TOPK)
    y = pl.pallas_call(
        _combine_kernel,
        grid=(S // TS,),
        in_specs=[
            pl.BlockSpec((TS, 1), lambda i: (i, 0)),
            pl.BlockSpec((TS, 1), lambda i: (i, 0)),
            pl.BlockSpec((TS, D), lambda i: (i, 0)),
            pl.BlockSpec((P, D), lambda i: (0, 0)),
        ],
        out_specs=pl.BlockSpec((TS, D), lambda i: (i, 0)),
        out_shape=jax.ShapeDtypeStruct((S, D), f32),
    )(pos2[:, 0:1], pos2[:, 1:2], x1, ffn_out)

    eu = eu_sum[0] / jnp.float32(S)
    mu = jnp.mean(eu)
    lb = jnp.mean((eu - mu) ** 2) / (mu * mu + 1e-8) * float(E) * 0.01
    zl = zl_sum[0, 0] / jnp.float32(S) * 0.001
    return y.reshape(B, S, D), lb, zl

# --- scband reference (transcript-rebuilt; emitter-appended) ---
"""Pipeline reference for scband-mo-etransformer-block-12335146074166 (READ-ONLY COPY).

The authoritative reference and input builder live on the scoring server;
editing this copy changes nothing except your own understanding.
"""

import jax, jax.numpy as jnp
import numpy as np

B = 1; S = 2048; D = 768; H = 12; DH = 64; FFN = 3072; E = 8; TOPK = 2

def setup_inputs(seed: int = 0):
    key = jax.random.key(seed)
    ks = jax.random.split(key, 16)
    sc = 0.02
    return {
        "x": jax.random.normal(ks[0], (B, S, D), jnp.float32),
        "ln1_g": jnp.ones((D,), jnp.float32),
        "ln1_b": jnp.zeros((D,), jnp.float32),
        "ln2_g": jnp.ones((D,), jnp.float32),
        "ln2_b": jnp.zeros((D,), jnp.float32),
        "Wq": jax.random.normal(ks[1], (D, D), jnp.float32) * sc,
        "bq": jnp.zeros((D,), jnp.float32),
        "Wk": jax.random.normal(ks[2], (D, D), jnp.float32) * sc,
        "bk": jnp.zeros((D,), jnp.float32),
        "Wv": jax.random.normal(ks[3], (D, D), jnp.float32) * sc,
        "bv": jnp.zeros((D,), jnp.float32),
        "Wo": jax.random.normal(ks[4], (D, D), jnp.float32) * sc,
        "bo": jnp.zeros((D,), jnp.float32),
        "Wr": jax.random.normal(ks[5], (D, E), jnp.float32) * sc,
        "W1": jax.random.normal(ks[6], (E, D, FFN), jnp.float32) * sc,
        "b1": jnp.zeros((E, FFN), jnp.float32),
        "W2": jax.random.normal(ks[7], (E, FFN, D), jnp.float32) * sc,
        "b2": jnp.zeros((E, D), jnp.float32),
    }

def _ln(t, g, b):
    m = jnp.mean(t, -1, keepdims=True)
    v = jnp.mean((t - m) ** 2, -1, keepdims=True)
    return (t - m) / jnp.sqrt(v + 1e-5) * g + b

def _rope(t):
    s = t.shape[2]
    pos = jnp.arange(s, dtype=jnp.float32)
    div = jnp.exp(jnp.arange(0, DH, 2, dtype=jnp.float32) * -(jnp.log(10000.0) / DH))
    ang = pos[:, None] * div[None, :]
    sin = jnp.sin(ang)[None, None]
    cos = jnp.cos(ang)[None, None]
    t1, t2 = jnp.split(t, 2, axis=-1)
    return jnp.concatenate([cos * t1 - sin * t2, sin * t1 + cos * t2], axis=-1)

def reference(x, ln1_g, ln1_b, ln2_g, ln2_b, Wq, bq, Wk, bk, Wv, bv, Wo, bo, Wr, W1, b1, W2, b2):
    h = _ln(x, ln1_g, ln1_b)
    def heads(t):
        return t.reshape(B, S, H, DH).transpose(0, 2, 1, 3)
    q = _rope(heads(h @ Wq + bq))
    k = _rope(heads(h @ Wk + bk))
    v = heads(h @ Wv + bv)
    scores = jnp.einsum('bhqd,bhkd->bhqk', q, k) / jnp.sqrt(float(DH))
    mask = jnp.tril(jnp.ones((S, S), bool))
    scores = jnp.where(mask[None, None], scores, -1e9)
    attn = jax.nn.softmax(scores, axis=-1)
    ao = jnp.einsum('bhqk,bhkd->bhqd', attn, v).transpose(0, 2, 1, 3).reshape(B, S, D)
    x1 = x + (ao @ Wo + bo)
    h2 = _ln(x1, ln2_g, ln2_b)
    logits = h2 @ Wr
    probs = jax.nn.softmax(logits, axis=-1)
    topv, topi = jax.lax.top_k(probs, TOPK)
    topv = topv / (jnp.sum(topv, -1, keepdims=True) + 1e-8)
    out = jnp.zeros_like(h2)
    for e in range(E):
        eo = jax.nn.gelu(h2 @ W1[e] + b1[e], approximate=False) @ W2[e] + b2[e]
        for kk in range(TOPK):
            m = (topi[:, :, kk] == e).astype(jnp.float32)[..., None]
            w = topv[:, :, kk][..., None]
            out = out + eo * m * w
    y = x1 + out
    eu = jnp.mean(probs, axis=(0, 1))
    mu = jnp.mean(eu)
    lb = jnp.mean((eu - mu) ** 2) / (mu * mu + 1e-8) * float(E)
    zl = jnp.mean(jax.scipy.special.logsumexp(logits, axis=-1) ** 2)
    return y, lb * 0.01, zl * 0.001

if __name__ == "__main__":
    import jax
    _d = setup_inputs()
    print(jax.jit(kernel)(*tuple(_d.values())))

</pallas_src>

<mosaic_0001>
module attributes {stable_mosaic.version = 14 : i64} {
  func.func @_attn_kernel(%arg0: i32, %arg1: i32, %arg2: memref<1x256x64xf32, #tpu.memory_space<vmem>>, %arg3: memref<1x2048x64xf32, #tpu.memory_space<vmem>>, %arg4: memref<1x2048x64xf32, #tpu.memory_space<vmem>>, %arg5: memref<1x256x64xf32, #tpu.memory_space<vmem>>) attributes {dimension_semantics = [#tpu.dimension_semantics<arbitrary>, #tpu.dimension_semantics<arbitrary>], iteration_bounds = array<i64: 12, 8>, scalar_prefetch = 0 : i64, scratch_operands = 0 : i64, tpu.core_type = #tpu.core_type<tc>, window_params = [{transform_indices = @transform_0, window_bounds = array<i64: 1, 256, 64>}, {transform_indices = @transform_1, window_bounds = array<i64: 1, 2048, 64>}, {transform_indices = @transform_2, window_bounds = array<i64: 1, 2048, 64>}, {transform_indices = @transform_3, window_bounds = array<i64: 1, 256, 64>}]} {
    %get3A = arith.constant 0 : index
    %get3A_0 = arith.constant 0 : index
    %get3A_1 = arith.constant 0 : index
    %get3A_2 = vector.load %arg2[%get3A, %get3A_0, %get3A_1] : memref<1x256x64xf32, #tpu.memory_space<vmem>>, vector<1x256x64xf32>
    %get3A_3 = vector.shape_cast %get3A_2 : vector<1x256x64xf32> to vector<256x64xf32>
    %get3A_4 = arith.constant 0 : index
    %get3A_5 = arith.constant 0 : index
    %get3A_6 = arith.constant 0 : index
    %get3A_7 = vector.load %arg3[%get3A_4, %get3A_5, %get3A_6] : memref<1x2048x64xf32, #tpu.memory_space<vmem>>, vector<1x2048x64xf32>
    %get3A_8 = vector.shape_cast %get3A_7 : vector<1x2048x64xf32> to vector<2048x64xf32>
    %get3A_9 = arith.constant 0 : index
    %get3A_10 = arith.constant 0 : index
    %get3A_11 = arith.constant 0 : index
    %get3A_12 = vector.load %arg4[%get3A_9, %get3A_10, %get3A_11] : memref<1x2048x64xf32, #tpu.memory_space<vmem>>, vector<1x2048x64xf32>
    %get3A_13 = vector.shape_cast %get3A_12 : vector<1x2048x64xf32> to vector<2048x64xf32>
    %dot_general3A = arith.constant dense<0.000000e+00> : vector<256x2048xf32>
    %dot_general3A_14 = tpu.matmul %get3A_3, %get3A_8, %dot_general3A {dimension_numbers = #tpu.dot_dimension_numbers<[1], [1], [0], [0], [0, 0, 1, 0], [], []>, transpose_lhs_hint = false} : vector<256x64xf32>, vector<2048x64xf32>, vector<256x2048xf32> -> vector<256x2048xf32>
    %mul3A = arith.constant 1.250000e-01 : f32
    %mul3A_15 = vector.broadcast %mul3A : f32 to vector<256x2048xf32>
    %mul3A_16 = arith.mulf %dot_general3A_14, %mul3A_15 : vector<256x2048xf32>
    %iota3A = tpu.iota {dimensions = array<i32: 0>} : vector<256x2048xi32>
    %mul3A_17 = arith.constant 256 : i32
    %mul3A_18 = arith.muli %arg1, %mul3A_17 : i32
    %add3A = vector.broadcast %mul3A_18 : i32 to vector<256x2048xi32>
    %add3A_19 = arith.addi %iota3A, %add3A : vector<256x2048xi32>
    %iota3A_20 = tpu.iota {dimensions = array<i32: 1>} : vector<256x2048xi32>
    %le3A = arith.cmpi sle, %iota3A_20, %add3A_19 : vector<256x2048xi32>
    %jit3A = arith.constant -1.000000e+09 : f32
    %broadcast_in_dim3A = vector.broadcast %jit3A : f32 to vector<256x2048xf32>
    %select_n3A = arith.select %le3A, %mul3A_16, %broadcast_in_dim3A : vector<256x2048xi1>, vector<256x2048xf32>
    %reduce_max3A = arith.constant dense<0xFF800000> : vector<256xf32>
    %reduce_max3A_21 = vector.multi_reduction <maximumf>, %select_n3A, %reduce_max3A [1] : vector<256x2048xf32> to vector<256xf32>
    %broadcast_in_dim3A_22 = vector.shape_cast %reduce_max3A_21 : vector<256xf32> to vector<256x1xf32>
    %sub3A = vector.broadcast %broadcast_in_dim3A_22 : vector<256x1xf32> to vector<256x2048xf32>
    %sub3A_23 = arith.subf %select_n3A, %sub3A : vector<256x2048xf32>
    %exp3A = math.exp %sub3A_23 : vector<256x2048xf32>
    %reduce_sum3A = arith.constant dense<0.000000e+00> : vector<256xf32>
    %reduce_sum3A_24 = vector.multi_reduction <add>, %exp3A, %reduce_sum3A [1] : vector<256x2048xf32> to vector<256xf32>
    %broadcast_in_dim3A_25 = vector.shape_cast %reduce_sum3A_24 : vector<256xf32> to vector<256x1xf32>
    %div3A = vector.broadcast %broadcast_in_dim3A_25 : vector<256x1xf32> to vector<256x2048xf32>
    %div3A_26 = arith.divf %exp3A, %div3A : vector<256x2048xf32>
    %dot_general3A_27 = arith.constant dense<0.000000e+00> : vector<256x64xf32>
    %dot_general3A_28 = tpu.matmul %div3A_26, %get3A_13, %dot_general3A_27 {dimension_numbers = #tpu.dot_dimension_numbers<[1], [0], [0], [1], [0, 0, 1, 1], [], []>, transpose_lhs_hint = false} : vector<256x2048xf32>, vector<2048x64xf32>, vector<256x64xf32> -> vector<256x64xf32>
    %swap3A = arith.constant 0 : index
    %swap3A_29 = arith.constant 0 : index
    %swap3A_30 = arith.constant 0 : index
    %swap3A_31 = vector.load %arg5[%swap3A, %swap3A_29, %swap3A_30] : memref<1x256x64xf32, #tpu.memory_space<vmem>>, vector<1x256x64xf32>
    %swap3A_32 = vector.shape_cast %swap3A_31 : vector<1x256x64xf32> to vector<256x64xf32>
    %swap3A_33 = vector.shape_cast %dot_general3A_28 : vector<256x64xf32> to vector<1x256x64xf32>
    tpu.vector_store %arg5[%swap3A, %swap3A_29, %swap3A_30], %swap3A_33 {strides = array<i32>} : memref<1x256x64xf32, #tpu.memory_space<vmem>>, vector<1x256x64xf32>,
    return
  }
  func.func @transform_0(%arg0: i32, %arg1: i32) -> (i32, i32, i32) {
    %c0_i32 = arith.constant 0 : i32
    %c0_i32_0 = arith.constant 0 : i32
    return %arg0, %arg1, %c0_i32 : i32, i32, i32
  }
  func.func @transform_1(%arg0: i32, %arg1: i32) -> (i32, i32, i32) {
    %c0_i32 = arith.constant 0 : i32
    %c0_i32_0 = arith.constant 0 : i32
    %c0_i32_1 = arith.constant 0 : i32
    return %arg0, %c0_i32, %c0_i32_0 : i32, i32, i32
  }
  func.func @transform_2(%arg0: i32, %arg1: i32) -> (i32, i32, i32) {
    %c0_i32 = arith.constant 0 : i32
    %c0_i32_0 = arith.constant 0 : i32
    %c0_i32_1 = arith.constant 0 : i32
    return %arg0, %c0_i32, %c0_i32_0 : i32, i32, i32
  }
  func.func @transform_3(%arg0: i32, %arg1: i32) -> (i32, i32, i32) {
    %c0_i32 = arith.constant 0 : i32
    %c0_i32_0 = arith.constant 0 : i32
    return %arg0, %arg1, %c0_i32 : i32, i32, i32
  }
}

module attributes {stable_mosaic.version = 14 : i64} {
  func.func @_qkv_kernel(%arg0: i32, %arg1: memref<256x768xf32, #tpu.memory_space<vmem>>, %arg2: memref<1x768xf32, #tpu.memory_space<vmem>>, %arg3: memref<1x768xf32, #tpu.memory_space<vmem>>, %arg4: memref<768x768xf32, #tpu.memory_space<vmem>>, %arg5: memref<1x768xf32, #tpu.memory_space<vmem>>, %arg6: memref<768x768xf32, #tpu.memory_space<vmem>>, %arg7: memref<1x768xf32, #tpu.memory_space<vmem>>, %arg8: memref<768x768xf32, #tpu.memory_space<vmem>>, %arg9: memref<1x768xf32, #tpu.memory_space<vmem>>, %arg10: memref<256x32xf32, #tpu.memory_space<vmem>>, %arg11: memref<256x32xf32, #tpu.memory_space<vmem>>, %arg12: memref<12x256x64xf32, #tpu.memory_space<vmem>>, %arg13: memref<12x256x64xf32, #tpu.memory_space<vmem>>, %arg14: memref<12x256x64xf32, #tpu.memory_space<vmem>>) attributes {dimension_semantics = [#tpu.dimension_semantics<arbitrary>], iteration_bounds = array<i64: 8>, scalar_prefetch = 0 : i64, scratch_operands = 0 : i64, tpu.core_type = #tpu.core_type<tc>, window_params = [{transform_indices = @transform_0, window_bounds = array<i64: 256, 768>}, {pipeline_mode = #tpu.pipeline_mode<synchronous>, transform_indices = @transform_1, window_bounds = array<i64: 1, 768>}, {pipeline_mode = #tpu.pipeline_mode<synchronous>, transform_indices = @transform_2, window_bounds = array<i64: 1, 768>}, {pipeline_mode = #tpu.pipeline_mode<synchronous>, transform_indices = @transform_3, window_bounds = array<i64: 768, 768>}, {pipeline_mode = #tpu.pipeline_mode<synchronous>, transform_indices = @transform_4, window_bounds = array<i64: 1, 768>}, {pipeline_mode = #tpu.pipeline_mode<synchronous>, transform_indices = @transform_5, window_bounds = array<i64: 768, 768>}, {pipeline_mode = #tpu.pipeline_mode<synchronous>, transform_indices = @transform_6, window_bounds = array<i64: 1, 768>}, {pipeline_mode = #tpu.pipeline_mode<synchronous>, transform_indices = @transform_7, window_bounds = array<i64: 768, 768>}, {pipeline_mode = #tpu.pipeline_mode<synchronous>, transform_indices = @transform_8, window_bounds = array<i64: 1, 768>}, {transform_indices = @transform_9, window_bounds = array<i64: 256, 32>}, {transform_indices = @transform_10, window_bounds = array<i64: 256, 32>}, {transform_indices = @transform_11, window_bounds = array<i64: 12, 256, 64>}, {transform_indices = @transform_12, window_bounds = array<i64: 12, 256, 64>}, {transform_indices = @transform_13, window_bounds = array<i64: 12, 256, 64>}]} {
    %get3A = arith.constant 0 : index
    %get3A_0 = arith.constant 0 : index
    %get3A_1 = vector.load %arg1[%get3A, %get3A_0] : memref<256x768xf32, #tpu.memory_space<vmem>>, vector<256x768xf32>
    %get3A_2 = arith.constant 0 : index
    %get3A_3 = arith.constant 0 : index
    %get3A_4 = vector.load %arg2[%get3A_2, %get3A_3] : memref<1x768xf32, #tpu.memory_space<vmem>>, vector<1x768xf32>
    %get3A_5 = arith.constant 0 : index
    %get3A_6 = arith.constant 0 : index
    %get3A_7 = vector.load %arg3[%get3A_5, %get3A_6] : memref<1x768xf32, #tpu.memory_space<vmem>>, vector<1x768xf32>
    %reduce_sum3A = arith.constant dense<0.000000e+00> : vector<256xf32>
    %reduce_sum3A_8 = vector.multi_reduction <add>, %get3A_1, %reduce_sum3A [1] : vector<256x768xf32> to vector<256xf32>
    %broadcast_in_dim3A = vector.shape_cast %reduce_sum3A_8 : vector<256xf32> to vector<256x1xf32>
    %div3A = arith.constant 7.680000e+02 : f32
    %div3A_9 = vector.broadcast %div3A : f32 to vector<256x1xf32>
    %div3A_10 = arith.divf %broadcast_in_dim3A, %div3A_9 : vector<256x1xf32>
    %sub3A = vector.broadcast %div3A_10 : vector<256x1xf32> to vector<256x768xf32>
    %sub3A_11 = arith.subf %get3A_1, %sub3A : vector<256x768xf32>
    %integer_pow3A = arith.mulf %sub3A_11, %sub3A_11 : vector<256x768xf32>
    %reduce_sum3A_12 = arith.constant dense<0.000000e+00> : vector<256xf32>
    %reduce_sum3A_13 = vector.multi_reduction <add>, %integer_pow3A, %reduce_sum3A_12 [1] : vector<256x768xf32> to vector<256xf32>
    %broadcast_in_dim3A_14 = vector.shape_cast %reduce_sum3A_13 : vector<256xf32> to vector<256x1xf32>
    %div3A_15 = arith.constant 7.680000e+02 : f32
    %div3A_16 = vector.broadcast %div3A_15 : f32 to vector<256x1xf32>
    %div3A_17 = arith.divf %broadcast_in_dim3A_14, %div3A_16 : vector<256x1xf32>
    %sub3A_18 = vector.broadcast %div3A_10 : vector<256x1xf32> to vector<256x768xf32>
    %sub3A_19 = arith.subf %get3A_1, %sub3A_18 : vector<256x768xf32>
    %add3A = arith.constant 9.99999974E-6 : f32
    %add3A_20 = vector.broadcast %add3A : f32 to vector<256x1xf32>
    %add3A_21 = arith.addf %div3A_17, %add3A_20 : vector<256x1xf32>
    %sqrt3A = math.sqrt %add3A_21 : vector<256x1xf32>
    %div3A_22 = vector.broadcast %sqrt3A : vector<256x1xf32> to vector<256x768xf32>
    %div3A_23 = arith.divf %sub3A_19, %div3A_22 : vector<256x768xf32>
    %mul3A = vector.broadcast %get3A_4 : vector<1x768xf32> to vector<256x768xf32>
    %mul3A_24 = arith.mulf %div3A_23, %mul3A : vector<256x768xf32>
    %add3A_25 = vector.broadcast %get3A_7 : vector<1x768xf32> to vector<256x768xf32>
    %add3A_26 = arith.addf %mul3A_24, %add3A_25 : vector<256x768xf32>
    %get3A_27 = arith.constant 0 : index
    %get3A_28 = arith.constant 0 : index
    %get3A_29 = vector.load %arg4[%get3A_27, %get3A_28] : memref<768x768xf32, #tpu.memory_space<vmem>>, vector<768x768xf32>
    %dot_general3A = arith.constant dense<0.000000e+00> : vector<256x768xf32>
    %dot_general3A_30 = tpu.matmul %add3A_26, %get3A_29, %dot_general3A {dimension_numbers = #tpu.dot_dimension_numbers<[1], [0], [0], [1], [0, 0, 1, 1], [], []>, transpose_lhs_hint = false} : vector<256x768xf32>, vector<768x768xf32>, vector<256x768xf32> -> vector<256x768xf32>
    %get3A_31 = arith.constant 0 : index
    %get3A_32 = arith.constant 0 : index
    %get3A_33 = vector.load %arg5[%get3A_31, %get3A_32] : memref<1x768xf32, #tpu.memory_space<vmem>>, vector<1x768xf32>
    %add3A_34 = vector.broadcast %get3A_33 : vector<1x768xf32> to vector<256x768xf32>
    %add3A_35 = arith.addf %dot_general3A_30, %add3A_34 : vector<256x768xf32>
    %get3A_36 = arith.constant 0 : index
    %get3A_37 = arith.constant 0 : index
    %get3A_38 = vector.load %arg6[%get3A_36, %get3A_37] : memref<768x768xf32, #tpu.memory_space<vmem>>, vector<768x768xf32>
    %dot_general3A_39 = arith.constant dense<0.000000e+00> : vector<256x768xf32>
    %dot_general3A_40 = tpu.matmul %add3A_26, %get3A_38, %dot_general3A_39 {dimension_numbers = #tpu.dot_dimension_numbers<[1], [0], [0], [1], [0, 0, 1, 1], [], []>, transpose_lhs_hint = false} : vector<256x768xf32>, vector<768x768xf32>, vector<256x768xf32> -> vector<256x768xf32>
    %get3A_41 = arith.constant 0 : index
    %get3A_42 = arith.constant 0 : index
    %get3A_43 = vector.load %arg7[%get3A_41, %get3A_42] : memref<1x768xf32, #tpu.memory_space<vmem>>, vector<1x768xf32>
    %add3A_44 = vector.broadcast %get3A_43 : vector<1x768xf32> to vector<256x768xf32>
    %add3A_45 = arith.addf %dot_general3A_40, %add3A_44 : vector<256x768xf32>
    %get3A_46 = arith.constant 0 : index
    %get3A_47 = arith.constant 0 : index
    %get3A_48 = vector.load %arg8[%get3A_46, %get3A_47] : memref<768x768xf32, #tpu.memory_space<vmem>>, vector<768x768xf32>
    %dot_general3A_49 = arith.constant dense<0.000000e+00> : vector<256x768xf32>
    %dot_general3A_50 = tpu.matmul %add3A_26, %get3A_48, %dot_general3A_49 {dimension_numbers = #tpu.dot_dimension_numbers<[1], [0], [0], [1], [0, 0, 1, 1], [], []>, transpose_lhs_hint = false} : vector<256x768xf32>, vector<768x768xf32>, vector<256x768xf32> -> vector<256x768xf32>
    %get3A_51 = arith.constant 0 : index
    %get3A_52 = arith.constant 0 : index
    %get3A_53 = vector.load %arg9[%get3A_51, %get3A_52] : memref<1x768xf32, #tpu.memory_space<vmem>>, vector<1x768xf32>
    %add3A_54 = vector.broadcast %get3A_53 : vector<1x768xf32> to vector<256x768xf32>
    %add3A_55 = arith.addf %dot_general3A_50, %add3A_54 : vector<256x768xf32>
    %get3A_56 = arith.constant 0 : index
    %get3A_57 = arith.constant 0 : index
    %get3A_58 = vector.load %arg10[%get3A_56, %get3A_57] : memref<256x32xf32, #tpu.memory_space<vmem>>, vector<256x32xf32>
    %get3A_59 = arith.constant 0 : index
    %get3A_60 = arith.constant 0 : index
    %get3A_61 = vector.load %arg11[%get3A_59, %get3A_60] : memref<256x32xf32, #tpu.memory_space<vmem>>, vector<256x32xf32>
    %slice3A = vector.extract_strided_slice %add3A_35 {offsets = [0, 0], sizes = [256, 64], strides = [1, 1]} : vector<256x768xf32> to vector<256x64xf32>
    %slice3A_62 = vector.extract_strided_slice %add3A_45 {offsets = [0, 0], sizes = [256, 64], strides = [1, 1]} : vector<256x768xf32> to vector<256x64xf32>
    %slice3A_63 = vector.extract_strided_slice %slice3A {offsets = [0, 0], sizes = [256, 32], strides = [1, 1]} : vector<256x64xf32> to vector<256x32xf32>
    %slice3A_64 = vector.extract_strided_slice %slice3A {offsets = [0, 32], sizes = [256, 32], strides = [1, 1]} : vector<256x64xf32> to vector<256x32xf32>
    %slice3A_65 = vector.extract_strided_slice %slice3A_62 {offsets = [0, 0], sizes = [256, 32], strides = [1, 1]} : vector<256x64xf32> to vector<256x32xf32>
    %slice3A_66 = vector.extract_strided_slice %slice3A_62 {offsets = [0, 32], sizes = [256, 32], strides = [1, 1]} : vector<256x64xf32> to vector<256x32xf32>
    %mul3A_67 = arith.mulf %get3A_61, %slice3A_63 : vector<256x32xf32>
    %mul3A_68 = arith.mulf %get3A_58, %slice3A_64 : vector<256x32xf32>
    %sub3A_69 = arith.subf %mul3A_67, %mul3A_68 : vector<256x32xf32>
    %mul3A_70 = arith.mulf %get3A_58, %slice3A_63 : vector<256x32xf32>
    %mul3A_71 = arith.mulf %get3A_61, %slice3A_64 : vector<256x32xf32>
    %add3A_72 = arith.addf %mul3A_70, %mul3A_71 : vector<256x32xf32>
    %concatenate3A = tpu.concatenate %sub3A_69, %add3A_72 in 1 : vector<256x32xf32>, vector<256x32xf32> -> vector<256x64xf32>
    %swap3A = arith.constant 0 : index
    %swap3A_73 = arith.constant 0 : index
    %swap3A_74 = arith.constant 0 : index
    %swap3A_75 = vector.load %arg12[%swap3A, %swap3A_73, %swap3A_74] : memref<12x256x64xf32, #tpu.memory_space<vmem>>, vector<1x256x64xf32>
    %swap3A_76 = vector.shape_cast %swap3A_75 : vector<1x256x64xf32> to vector<256x64xf32>
    %swap3A_77 = vector.shape_cast %concatenate3A : vector<256x64xf32> to vector<1x256x64xf32>
    tpu.vector_store %arg12[%swap3A, %swap3A_73, %swap3A_74], %swap3A_77 {strides = array<i32>} : memref<12x256x64xf32, #tpu.memory_space<vmem>>, vector<1x256x64xf32>,
    %mul3A_78 = arith.mulf %get3A_61, %slice3A_65 : vector<256x32xf32>
    %mul3A_79 = arith.mulf %get3A_58, %slice3A_66 : vector<256x32xf32>
    %sub3A_80 = arith.subf %mul3A_78, %mul3A_79 : vector<256x32xf32>
    %mul3A_81 = arith.mulf %get3A_58, %slice3A_65 : vector<256x32xf32>
    %mul3A_82 = arith.mulf %get3A_61, %slice3A_66 : vector<256x32xf32>
    %add3A_83 = arith.addf %mul3A_81, %mul3A_82 : vector<256x32xf32>
    %concatenate3A_84 = tpu.concatenate %sub3A_80, %add3A_83 in 1 : vector<256x32xf32>, vector<256x32xf32> -> vector<256x64xf32>
    %swap3A_85 = arith.constant 0 : index
    %swap3A_86 = arith.constant 0 : index
    %swap3A_87 = arith.constant 0 : index
    %swap3A_88 = vector.load %arg13[%swap3A_85, %swap3A_86, %swap3A_87] : memref<12x256x64xf32, #tpu.memory_space<vmem>>, vector<1x256x64xf32>
    %swap3A_89 = vector.shape_cast %swap3A_88 : vector<1x256x64xf32> to vector<256x64xf32>
    %swap3A_90 = vector.shape_cast %concatenate3A_84 : vector<256x64xf32> to vector<1x256x64xf32>
    tpu.vector_store %arg13[%swap3A_85, %swap3A_86, %swap3A_87], %swap3A_90 {strides = array<i32>} : memref<12x256x64xf32, #tpu.memory_space<vmem>>, vector<1x256x64xf32>,
    %slice3A_91 = vector.extract_strided_slice %add3A_55 {offsets = [0, 0], sizes = [256, 64], strides = [1, 1]} : vector<256x768xf32> to vector<256x64xf32>
    %swap3A_92 = arith.constant 0 : index
    %swap3A_93 = arith.constant 0 : index
    %swap3A_94 = arith.constant 0 : index
    %swap3A_95 = vector.load %arg14[%swap3A_92, %swap3A_93, %swap3A_94] : memref<12x256x64xf32, #tpu.memory_space<vmem>>, vector<1x256x64xf32>
    %swap3A_96 = vector.shape_cast %swap3A_95 : vector<1x256x64xf32> to vector<256x64xf32>
    %swap3A_97 = vector.shape_cast %slice3A_91 : vector<256x64xf32> to vector<1x256x64xf32>
    tpu.vector_store %arg14[%swap3A_92, %swap3A_93, %swap3A_94], %swap3A_97 {strides = array<i32>} : memref<12x256x64xf32, #tpu.memory_space<vmem>>, vector<1x256x64xf32>,
    %slice3A_98 = vector.extract_strided_slice %add3A_35 {offsets = [0, 64], sizes = [256, 64], strides = [1, 1]} : vector<256x768xf32> to vector<256x64xf32>
    %slice3A_99 = vector.extract_strided_slice %add3A_45 {offsets = [0, 64], sizes = [256, 64], strides = [1, 1]} : vector<256x768xf32> to vector<256x64xf32>
    %slice3A_100 = vector.extract_strided_slice %slice3A_98 {offsets = [0, 0], sizes = [256, 32], strides = [1, 1]} : vector<256x64xf32> to vector<256x32xf32>
    %slice3A_101 = vector.extract_strided_slice %slice3A_98 {offsets = [0, 32], sizes = [256, 32], strides = [1, 1]} : vector<256x64xf32> to vector<256x32xf32>
    %slice3A_102 = vector.extract_strided_slice %slice3A_99 {offsets = [0, 0], sizes = [256, 32], strides = [1, 1]} : vector<256x64xf32> to vector<256x32xf32>
    %slice3A_103 = vector.extract_strided_slice %slice3A_99 {offsets = [0, 32], sizes = [256, 32], strides = [1, 1]} : vector<256x64xf32> to vector<256x32xf32>
    %mul3A_104 = arith.mulf %get3A_61, %slice3A_100 : vector<256x32xf32>
    %mul3A_105 = arith.mulf %get3A_58, %slice3A_101 : vector<256x32xf32>
    %sub3A_106 = arith.subf %mul3A_104, %mul3A_105 : vector<256x32xf32>
    %mul3A_107 = arith.mulf %get3A_58, %slice3A_100 : vector<256x32xf32>
    %mul3A_108 = arith.mulf %get3A_61, %slice3A_101 : vector<256x32xf32>
    %add3A_109 = arith.addf %mul3A_107, %mul3A_108 : vector<256x32xf32>
    %concatenate3A_110 = tpu.concatenate %sub3A_106, %add3A_109 in 1 : vector<256x32xf32>, vector<256x32xf32> -> vector<256x64xf32>
    %swap3A_111 = arith.constant 1 : index
    %swap3A_112 = arith.constant 0 : index
    %swap3A_113 = arith.constant 0 : index
    %swap3A_114 = vector.load %arg12[%swap3A_111, %swap3A_112, %swap3A_113] : memref<12x256x64xf32, #tpu.memory_space<vmem>>, vector<1x256x64xf32>
    %swap3A_115 = vector.shape_cast %swap3A_114 : vector<1x256x64xf32> to vector<256x64xf32>
    %swap3A_116 = vector.shape_cast %concatenate3A_110 : vector<256x64xf32> to vector<1x256x64xf32>
    tpu.vector_store %arg12[%swap3A_111, %swap3A_112, %swap3A_113], %swap3A_116 {strides = array<i32>} : memref<12x256x64xf32, #tpu.memory_space<vmem>>, vector<1x256x64xf32>,
    %mul3A_117 = arith.mulf %get3A_61, %slice3A_102 : vector<256x32xf32>
    %mul3A_118 = arith.mulf %get3A_58, %slice3A_103 : vector<256x32xf32>
    %sub3A_119 = arith.subf %mul3A_117, %mul3A_118 : vector<256x32xf32>
    %mul3A_120 = arith.mulf %get3A_58, %slice3A_102 : vector<256x32xf32>
    %mul3A_121 = arith.mulf %get3A_61, %slice3A_103 : vector<256x32xf32>
    %add3A_122 = arith.addf %mul3A_120, %mul3A_121 : vector<256x32xf32>
    %concatenate3A_123 = tpu.concatenate %sub3A_119, %add3A_122 in 1 : vector<256x32xf32>, vector<256x32xf32> -> vector<256x64xf32>
    %swap3A_124 = arith.constant 1 : index
    %swap3A_125 = arith.constant 0 : index
    %swap3A_126 = arith.constant 0 : index
    %swap3A_127 = vector.load %arg13[%swap3A_124, %swap3A_125, %swap3A_126] : memref<12x256x64xf32, #tpu.memory_space<vmem>>, vector<1x256x64xf32>
    %swap3A_128 = vector.shape_cast %swap3A_127 : vector<1x256x64xf32> to vector<256x64xf32>
    %swap3A_129 = vector.shape_cast %concatenate3A_123 : vector<256x64xf32> to vector<1x256x64xf32>
    tpu.vector_store %arg13[%swap3A_124, %swap3A_125, %swap3A_126], %swap3A_129 {strides = array<i32>} : memref<12x256x64xf32, #tpu.memory_space<vmem>>, vector<1x256x64xf32>,
    %slice3A_130 = vector.extract_strided_slice %add3A_55 {offsets = [0, 64], sizes = [256, 64], strides = [1, 1]} : vector<256x768xf32> to vector<256x64xf32>
    %swap3A_131 = arith.constant 1 : index
    %swap3A_132 = arith.constant 0 : index
    %swap3A_133 = arith.constant 0 : index
    %swap3A_134 = vector.load %arg14[%swap3A_131, %swap3A_132, %swap3A_133] : memref<12x256x64xf32, #tpu.memory_space<vmem>>, vector<1x256x64xf32>
    %swap3A_135 = vector.shape_cast %swap3A_134 : vector<1x256x64xf32> to vector<256x64xf32>
    %swap3A_136 = vector.shape_cast %slice3A_130 : vector<256x64xf32> to vector<1x256x64xf32>
    tpu.vector_store %arg14[%swap3A_131, %swap3A_132, %swap3A_133], %swap3A_136 {strides = array<i32>} : memref<12x256x64xf32, #tpu.memory_space<vmem>>, vector<1x256x64xf32>,
    %slice3A_137 = vector.extract_strided_slice %add3A_35 {offsets = [0, 128], sizes = [256, 64], strides = [1, 1]} : vector<256x768xf32> to vector<256x64xf32>
    %slice3A_138 = vector.extract_strided_slice %add3A_45 {offsets = [0, 128], sizes = [256, 64], strides = [1, 1]} : vector<256x768xf32> to vector<256x64xf32>
    %slice3A_139 = vector.extract_strided_slice %slice3A_137 {offsets = [0, 0], sizes = [256, 32], strides = [1, 1]} : vector<256x64xf32> to vector<256x32xf32>
    %slice3A_140 = vector.extract_strided_slice %slice3A_137 {offsets = [0, 32], sizes = [256, 32], strides = [1, 1]} : vector<256x64xf32> to vector<256x32xf32>
    %slice3A_141 = vector.extract_strided_slice %slice3A_138 {offsets = [0, 0], sizes = [256, 32], strides = [1, 1]} : vector<256x64xf32> to vector<256x32xf32>
    %slice3A_142 = vector.extract_strided_slice %slice3A_138 {offsets = [0, 32], sizes = [256, 32], strides = [1, 1]} : vector<256x64xf32> to vector<256x32xf32>
    %mul3A_143 = arith.mulf %get3A_61, %slice3A_139 : vector<256x32xf32>
    %mul3A_144 = arith.mulf %get3A_58, %slice3A_140 : vector<256x32xf32>
    %sub3A_145 = arith.subf %mul3A_143, %mul3A_144 : vector<256x32xf32>
    %mul3A_146 = arith.mulf %get3A_58, %slice3A_139 : vector<256x32xf32>
    %mul3A_147 = arith.mulf %get3A_61, %slice3A_140 : vector<256x32xf32>
    %add3A_148 = arith.addf %mul3A_146, %mul3A_147 : vector<256x32xf32>
    %concatenate3A_149 = tpu.concatenate %sub3A_145, %add3A_148 in 1 : vector<256x32xf32>, vector<256x32xf32> -> vector<256x64xf32>
    %swap3A_150 = arith.constant 2 : index
    %swap3A_151 = arith.constant 0 : index
    %swap3A_152 = arith.constant 0 : index
    %swap3A_153 = vector.load %arg12[%swap3A_150, %swap3A_151, %swap3A_152] : memref<12x256x64xf32, #tpu.memory_space<vmem>>, vector<1x256x64xf32>
    %swap3A_154 = vector.shape_cast %swap3A_153 : vector<1x256x64xf32> to vector<256x64xf32>
    %swap3A_155 = vector.shape_cast %concatenate3A_149 : vector<256x64xf32> to vector<1x256x64xf32>
    tpu.vector_store %arg12[%swap3A_150, %swap3A_151, %swap3A_152], %swap3A_155 {strides = array<i32>} : memref<12x256x64xf32, #tpu.memory_space<vmem>>, vector<1x256x64xf32>,
    %mul3A_156 = arith.mulf %get3A_61, %slice3A_141 : vector<256x32xf32>
    %mul3A_157 = arith.mulf %get3A_58, %slice3A_142 : vector<256x32xf32>
    %sub3A_158 = arith.subf %mul3A_156, %mul3A_157 : vector<256x32xf32>
    %mul3A_159 = arith.mulf %get3A_58, %slice3A_141 : vector<256x32xf32>
    %mul3A_160 = arith.mulf %get3A_61, %slice3A_142 : vector<256x32xf32>
    %add3A_161 = arith.addf %mul3A_159, %mul3A_160 : vector<256x32xf32>
    %concatenate3A_162 = tpu.concatenate %sub3A_158, %add3A_161 in 1 : vector<256x32xf32>, vector<256x32xf32> -> vector<256x64xf32>
    %swap3A_163 = arith.constant 2 : index
    %swap3A_164 = arith.constant 0 : index
    %swap3A_165 = arith.constant 0 : index
    %swap3A_166 = vector.load %arg13[%swap3A_163, %swap3A_164, %swap3A_165] : memref<12x256x64xf32, #tpu.memory_space<vmem>>, vector<1x256x64xf32>
    %swap3A_167 = vector.shape_cast %swap3A_166 : vector<1x256x64xf32> to vector<256x64xf32>
    %swap3A_168 = vector.shape_cast %concatenate3A_162 : vector<256x64xf32> to vector<1x256x64xf32>
    tpu.vector_store %arg13[%swap3A_163, %swap3A_164, %swap3A_165], %swap3A_168 {strides = array<i32>} : memref<12x256x64xf32, #tpu.memory_space<vmem>>, vector<1x256x64xf32>,
    %slice3A_169 = vector.extract_strided_slice %add3A_55 {offsets = [0, 128], sizes = [256, 64], strides = [1, 1]} : vector<256x768xf32> to vector<256x64xf32>
    %swap3A_170 = arith.constant 2 : index
    %swap3A_171 = arith.constant 0 : index
    %swap3A_172 = arith.constant 0 : index
    %swap3A_173 = vector.load %arg14[%swap3A_170, %swap3A_171, %swap3A_172] : memref<12x256x64xf32, #tpu.memory_space<vmem>>, vector<1x256x64xf32>
    %swap3A_174 = vector.shape_cast %swap3A_173 : vector<1x256x64xf32> to vector<256x64xf32>
    %swap3A_175 = vector.shape_cast %slice3A_169 : vector<256x64xf32> to vector<1x256x64xf32>
    tpu.vector_store %arg14[%swap3A_170, %swap3A_171, %swap3A_172], %swap3A_175 {strides = array<i32>} : memref<12x256x64xf32, #tpu.memory_space<vmem>>, vector<1x256x64xf32>,
    %slice3A_176 = vector.extract_strided_slice %add3A_35 {offsets = [0, 192], sizes = [256, 64], strides = [1, 1]} : vector<256x768xf32> to vector<256x64xf32>
    %slice3A_177 = vector.extract_strided_slice %add3A_45 {offsets = [0, 192], sizes = [256, 64], strides = [1, 1]} : vector<256x768xf32> to vector<256x64xf32>
    %slice3A_178 = vector.extract_strided_slice %slice3A_176 {offsets = [0, 0], sizes = [256, 32], strides = [1, 1]} : vector<256x64xf32> to vector<256x32xf32>
    %slice3A_179 = vector.extract_strided_slice %slice3A_176 {offsets = [0, 32], sizes = [256, 32], strides = [1, 1]} : vector<256x64xf32> to vector<256x32xf32>
    %slice3A_180 = vector.extract_strided_slice %slice3A_177 {offsets = [0, 0], sizes = [256, 32], strides = [1, 1]} : vector<256x64xf32> to vector<256x32xf32>
    %slice3A_181 = vector.extract_strided_slice %slice3A_177 {offsets = [0, 32], sizes = [256, 32], strides = [1, 1]} : vector<256x64xf32> to vector<256x32xf32>
    %mul3A_182 = arith.mulf %get3A_61, %slice3A_178 : vector<256x32xf32>
    %mul3A_183 = arith.mulf %get3A_58, %slice3A_179 : vector<256x32xf32>
    %sub3A_184 = arith.subf %mul3A_182, %mul3A_183 : vector<256x32xf32>
    %mul3A_185 = arith.mulf %get3A_58, %slice3A_178 : vector<256x32xf32>
    %mul3A_186 = arith.mulf %get3A_61, %slice3A_179 : vector<256x32xf32>
    %add3A_187 = arith.addf %mul3A_185, %mul3A_186 : vector<256x32xf32>
    %concatenate3A_188 = tpu.concatenate %sub3A_184, %add3A_187 in 1 : vector<256x32xf32>, vector<256x32xf32> -> vector<256x64xf32>
    %swap3A_189 = arith.constant 3 : index
    %swap3A_190 = arith.constant 0 : index
    %swap3A_191 = arith.constant 0 : index
    %swap3A_192 = vector.load %arg12[%swap3A_189, %swap3A_190, %swap3A_191] : memref<12x256x64xf32, #tpu.memory_space<vmem>>, vector<1x256x64xf32>
    %swap3A_193 = vector.shape_cast %swap3A_192 : vector<1x256x64xf32> to vector<256x64xf32>
    %swap3A_194 = vector.shape_cast %concatenate3A_188 : vector<256x64xf32> to vector<1x256x64xf32>
    tpu.vector_store %arg12[%swap3A_189, %swap3A_190, %swap3A_191], %swap3A_194 {strides = array<i32>} : memref<12x256x64xf32, #tpu.memory_space<vmem>>, vector<1x256x64xf32>,
    %mul3A_195 = arith.mulf %get3A_61, %slice3A_180 : vector<256x32xf32>
    %mul3A_196 = arith.mulf %get3A_58, %slice3A_181 : vector<256x32xf32>
    %sub3A_197 = arith.subf %mul3A_195, %mul3A_196 : vector<256x32xf32>
    %mul3A_198 = arith.mulf %get3A_58, %slice3A_180 : vector<256x32xf32>
    %mul3A_199 = arith.mulf %get3A_61, %slice3A_181 : vector<256x32xf32>
    %add3A_200 = arith.addf %mul3A_198, %mul3A_199 : vector<256x32xf32>
    %concatenate3A_201 = tpu.concatenate %sub3A_197, %add3A_200 in 1 : vector<256x32xf32>, vector<256x32xf32> -> vector<256x64xf32>
    %swap3A_202 = arith.constant 3 : index
    %swap3A_203 = arith.constant 0 : index
    %swap3A_204 = arith.constant 0 : index
    %swap3A_205 = vector.load %arg13[%swap3A_202, %swap3A_203, %swap3A_204] : memref<12x256x64xf32, #tpu.memory_space<vmem>>, vector<1x256x64xf32>
    %swap3A_206 = vector.shape_cast %swap3A_205 : vector<1x256x64xf32> to vector<256x64xf32>
    %swap3A_207 = vector.shape_cast %concatenate3A_201 : vector<256x64xf32> to vector<1x256x64xf32>
    tpu.vector_store %arg13[%swap3A_202, %swap3A_203, %swap3A_204], %swap3A_207 {strides = array<i32>} : memref<12x256x64xf32, #tpu.memory_space<vmem>>, vector<1x256x64xf32>,
    %slice3A_208 = vector.extract_strided_slice %add3A_55 {offsets = [0, 192], sizes = [256, 64], strides = [1, 1]} : vector<256x768xf32> to vector<256x64xf32>
    %swap3A_209 = arith.constant 3 : index
    %swap3A_210 = arith.constant 0 : index
    %swap3A_211 = arith.constant 0 : index
    %swap3A_212 = vector.load %arg14[%swap3A_209, %swap3A_210, %swap3A_211] : memref<12x256x64xf32, #tpu.memory_space<vmem>>, vector<1x256x64xf32>
    %swap3A_213 = vector.shape_cast %swap3A_212 : vector<1x256x64xf32> to vector<256x64xf32>
    %swap3A_214 = vector.shape_cast %slice3A_208 : vector<256x64xf32> to vector<1x256x64xf32>
    tpu.vector_store %arg14[%swap3A_209, %swap3A_210, %swap3A_211], %swap3A_214 {strides = array<i32>} : memref<12x256x64xf32, #tpu.memory_space<vmem>>, vector<1x256x64xf32>,
    %slice3A_215 = vector.extract_strided_slice %add3A_35 {offsets = [0, 256], sizes = [256, 64], strides = [1, 1]} : vector<256x768xf32> to vector<256x64xf32>
    %slice3A_216 = vector.extract_strided_slice %add3A_45 {offsets = [0, 256], sizes = [256, 64], strides = [1, 1]} : vector<256x768xf32> to vector<256x64xf32>
    %slice3A_217 = vector.extract_strided_slice %slice3A_215 {offsets = [0, 0], sizes = [256, 32], strides = [1, 1]} : vector<256x64xf32> to vector<256x32xf32>
    %slice3A_218 = vector.extract_strided_slice %slice3A_215 {offsets = [0, 32], sizes = [256, 32], strides = [1, 1]} : vector<256x64xf32> to vector<256x32xf32>
    %slice3A_219 = vector.extract_strided_slice %slice3A_216 {offsets = [0, 0], sizes = [256, 32], strides = [1, 1]} : vector<256x64xf32> to vector<256x32xf32>
    %slice3A_220 = vector.extract_strided_slice %slice3A_216 {offsets = [0, 32], sizes = [256, 32], strides = [1, 1]} : vector<256x64xf32> to vector<256x32xf32>
    %mul3A_221 = arith.mulf %get3A_61, %slice3A_217 : vector<256x32xf32>
    %mul3A_222 = arith.mulf %get3A_58, %slice3A_218 : vector<256x32xf32>
    %sub3A_223 = arith.subf %mul3A_221, %mul3A_222 : vector<256x32xf32>
    %mul3A_224 = arith.mulf %get3A_58, %slice3A_217 : vector<256x32xf32>
    %mul3A_225 = arith.mulf %get3A_61, %slice3A_218 : vector<256x32xf32>
    %add3A_226 = arith.addf %mul3A_224, %mul3A_225 : vector<256x32xf32>
    %concatenate3A_227 = tpu.concatenate %sub3A_223, %add3A_226 in 1 : vector<256x32xf32>, vector<256x32xf32> -> vector<256x64xf32>
    %swap3A_228 = arith.constant 4 : index
    %swap3A_229 = arith.constant 0 : index
    %swap3A_230 = arith.constant 0 : index
    %swap3A_231 = vector.load %arg12[%swap3A_228, %swap3A_229, %swap3A_230] : memref<12x256x64xf32, #tpu.memory_space<vmem>>, vector<1x256x64xf32>
    %swap3A_232 = vector.shape_cast %swap3A_231 : vector<1x256x64xf32> to vector<256x64xf32>
    %swap3A_233 = vector.shape_cast %concatenate3A_227 : vector<256x64xf32> to vector<1x256x64xf32>
    tpu.vector_store %arg12[%swap3A_228, %swap3A_229, %swap3A_230], %swap3A_233 {strides = array<i32>} : memref<12x256x64xf32, #tpu.memory_space<vmem>>, vector<1x256x64xf32>,
    %mul3A_234 = arith.mulf %get3A_61, %slice3A_219 : vector<256x32xf32>
    %mul3A_235 = arith.mulf %get3A_58, %slice3A_220 : vector<256x32xf32>
    %sub3A_236 = arith.subf %mul3A_234, %mul3A_235 : vector<256x32xf32>
    %mul3A_237 = arith.mulf %get3A_58, %slice3A_219 : vector<256x32xf32>
    %mul3A_238 = arith.mulf %get3A_61, %slice3A_220 : vector<256x32xf32>
    %add3A_239 = arith.addf %mul3A_237, %mul3A_238 : vector<256x32xf32>
    %concatenate3A_240 = tpu.concatenate %sub3A_236, %add3A_239 in 1 : vector<256x32xf32>, vector<256x32xf32> -> vector<256x64xf32>
    %swap3A_241 = arith.constant 4 : index
    %swap3A_242 = arith.constant 0 : index
    %swap3A_243 = arith.constant 0 : index
    %swap3A_244 = vector.load %arg13[%swap3A_241, %swap3A_242, %swap3A_243] : memref<12x256x64xf32, #tpu.memory_space<vmem>>, vector<1x256x64xf32>
    %swap3A_245 = vector.shape_cast %swap3A_244 : vector<1x256x64xf32> to vector<256x64xf32>
    %swap3A_246 = vector.shape_cast %concatenate3A_240 : vector<256x64xf32> to vector<1x256x64xf32>
    tpu.vector_store %arg13[%swap3A_241, %swap3A_242, %swap3A_243], %swap3A_246 {strides = array<i32>} : memref<12x256x64xf32, #tpu.memory_space<vmem>>, vector<1x256x64xf32>,
    %slice3A_247 = vector.extract_strided_slice %add3A_55 {offsets = [0, 256], sizes = [256, 64], strides = [1, 1]} : vector<256x768xf32> to vector<256x64xf32>
    %swap3A_248 = arith.constant 4 : index
    %swap3A_249 = arith.constant 0 : index
    %swap3A_250 = arith.constant 0 : index
    %swap3A_251 = vector.load %arg14[%swap3A_248, %swap3A_249, %swap3A_250] : memref<12x256x64xf32, #tpu.memory_space<vmem>>, vector<1x256x64xf32>
    %swap3A_252 = vector.shape_cast %swap3A_251 : vector<1x256x64xf32> to vector<256x64xf32>
    %swap3A_253 = vector.shape_cast %slice3A_247 : vector<256x64xf32> to vector<1x256x64xf32>
    tpu.vector_store %arg14[%swap3A_248, %swap3A_249, %swap3A_250], %swap3A_253 {strides = array<i32>} : memref<12x256x64xf32, #tpu.memory_space<vmem>>, vector<1x256x64xf32>,
    %slice3A_254 = vector.extract_strided_slice %add3A_35 {offsets = [0, 320], sizes = [256, 64], strides = [1, 1]} : vector<256x768xf32> to vector<256x64xf32>
    %slice3A_255 = vector.extract_strided_slice %add3A_45 {offsets = [0, 320], sizes = [256, 64], strides = [1, 1]} : vector<256x768xf32> to vector<256x64xf32>
    %slice3A_256 = vector.extract_strided_slice %slice3A_254 {offsets = [0, 0], sizes = [256, 32], strides = [1, 1]} : vector<256x64xf32> to vector<256x32xf32>
    %slice3A_257 = vector.extract_strided_slice %slice3A_254 {offsets = [0, 32], sizes = [256, 32], strides = [1, 1]} : vector<256x64xf32> to vector<256x32xf32>
    %slice3A_258 = vector.extract_strided_slice %slice3A_255 {offsets = [0, 0], sizes = [256, 32], strides = [1, 1]} : vector<256x64xf32> to vector<256x32xf32>
    %slice3A_259 = vector.extract_strided_slice %slice3A_255 {offsets = [0, 32], sizes = [256, 32], strides = [1, 1]} : vector<256x64xf32> to vector<256x32xf32>
    %mul3A_260 = arith.mulf %get3A_61, %slice3A_256 : vector<256x32xf32>
    %mul3A_261 = arith.mulf %get3A_58, %slice3A_257 : vector<256x32xf32>
    %sub3A_262 = arith.subf %mul3A_260, %mul3A_261 : vector<256x32xf32>
    %mul3A_263 = arith.mulf %get3A_58, %slice3A_256 : vector<256x32xf32>
    %mul3A_264 = arith.mulf %get3A_61, %slice3A_257 : vector<256x32xf32>
    %add3A_265 = arith.addf %mul3A_263, %mul3A_264 : vector<256x32xf32>
    %concatenate3A_266 = tpu.concatenate %sub3A_262, %add3A_265 in 1 : vector<256x32xf32>, vector<256x32xf32> -> vector<256x64xf32>
    %swap3A_267 = arith.constant 5 : index
    %swap3A_268 = arith.constant 0 : index
    %swap3A_269 = arith.constant 0 : index
    %swap3A_270 = vector.load %arg12[%swap3A_267, %swap3A_268, %swap3A_269] : memref<12x256x64xf32, #tpu.memory_space<vmem>>, vector<1x256x64xf32>
    %swap3A_271 = vector.shape_cast %swap3A_270 : vector<1x256x64xf32> to vector<256x64xf32>
    %swap3A_272 = vector.shape_cast %concatenate3A_266 : vector<256x64xf32> to vector<1x256x64xf32>
    tpu.vector_store %arg12[%swap3A_267, %swap3A_268, %swap3A_269], %swap3A_272 {strides = array<i32>} : memref<12x256x64xf32, #tpu.memory_space<vmem>>, vector<1x256x64xf32>,
    %mul3A_273 = arith.mulf %get3A_61, %slice3A_258 : vector<256x32xf32>
    %mul3A_274 = arith.mulf %get3A_58, %slice3A_259 : vector<256x32xf32>
    %sub3A_275 = arith.subf %mul3A_273, %mul3A_274 : vector<256x32xf32>
    %mul3A_276 = arith.mulf %get3A_58, %slice3A_258 : vector<256x32xf32>
    %mul3A_277 = arith.mulf %get3A_61, %slice3A_259 : vector<256x32xf32>
    %add3A_278 = arith.addf %mul3A_276, %mul3A_277 : vector<256x32xf32>
    %concatenate3A_279 = tpu.concatenate %sub3A_275, %add3A_278 in 1 : vector<256x32xf32>, vector<256x32xf32> -> vector<256x64xf32>
    %swap3A_280 = arith.constant 5 : index
    %swap3A_281 = arith.constant 0 : index
    %swap3A_282 = arith.constant 0 : index
    %swap3A_283 = vector.load %arg13[%swap3A_280, %swap3A_281, %swap3A_282] : memref<12x256x64xf32, #tpu.memory_space<vmem>>, vector<1x256x64xf32>
    %swap3A_284 = vector.shape_cast %swap3A_283 : vector<1x256x64xf32> to vector<256x64xf32>
    %swap3A_285 = vector.shape_cast %concatenate3A_279 : vector<256x64xf32> to vector<1x256x64xf32>
    tpu.vector_store %arg13[%swap3A_280, %swap3A_281, %swap3A_282], %swap3A_285 {strides = array<i32>} : memref<12x256x64xf32, #tpu.memory_space<vmem>>, vector<1x256x64xf32>,
    %slice3A_286 = vector.extract_strided_slice %add3A_55 {offsets = [0, 320], sizes = [256, 64], strides = [1, 1]} : vector<256x768xf32> to vector<256x64xf32>
    %swap3A_287 = arith.constant 5 : index
    %swap3A_288 = arith.constant 0 : index
    %swap3A_289 = arith.constant 0 : index
    %swap3A_290 = vector.load %arg14[%swap3A_287, %swap3A_288, %swap3A_289] : memref<12x256x64xf32, #tpu.memory_space<vmem>>, vector<1x256x64xf32>
    %swap3A_291 = vector.shape_cast %swap3A_290 : vector<1x256x64xf32> to vector<256x64xf32>
    %swap3A_292 = vector.shape_cast %slice3A_286 : vector<256x64xf32> to vector<1x256x64xf32>
    tpu.vector_store %arg14[%swap3A_287, %swap3A_288, %swap3A_289], %swap3A_292 {strides = array<i32>} : memref<12x256x64xf32, #tpu.memory_space<vmem>>, vector<1x256x64xf32>,
    %slice3A_293 = vector.extract_strided_slice %add3A_35 {offsets = [0, 384], sizes = [256, 64], strides = [1, 1]} : vector<256x768xf32> to vector<256x64xf32>
    %slice3A_294 = vector.extract_strided_slice %add3A_45 {offsets = [0, 384], sizes = [256, 64], strides = [1, 1]} : vector<256x768xf32> to vector<256x64xf32>
    %slice3A_295 = vector.extract_strided_slice %slice3A_293 {offsets = [0, 0], sizes = [256, 32], strides = [1, 1]} : vector<256x64xf32> to vector<256x32xf32>
    %slice3A_296 = vector.extract_strided_slice %slice3A_293 {offsets = [0, 32], sizes = [256, 32], strides = [1, 1]} : vector<256x64xf32> to vector<256x32xf32>
    %slice3A_297 = vector.extract_strided_slice %slice3A_294 {offsets = [0, 0], sizes = [256, 32], strides = [1, 1]} : vector<256x64xf32> to vector<256x32xf32>
    %slice3A_298 = vector.extract_strided_slice %slice3A_294 {offsets = [0, 32], sizes = [256, 32], strides = [1, 1]} : vector<256x64xf32> to vector<256x32xf32>
    %mul3A_299 = arith.mulf %get3A_61, %slice3A_295 : vector<256x32xf32>
    %mul3A_300 = arith.mulf %get3A_58, %slice3A_296 : vector<256x32xf32>
    %sub3A_301 = arith.subf %mul3A_299, %mul3A_300 : vector<256x32xf32>
    %mul3A_302 = arith.mulf %get3A_58, %slice3A_295 : vector<256x32xf32>
    %mul3A_303 = arith.mulf %get3A_61, %slice3A_296 : vector<256x32xf32>
    %add3A_304 = arith.addf %mul3A_302, %mul3A_303 : vector<256x32xf32>
    %concatenate3A_305 = tpu.concatenate %sub3A_301, %add3A_304 in 1 : vector<256x32xf32>, vector<256x32xf32> -> vector<256x64xf32>
    %swap3A_306 = arith.constant 6 : index
    %swap3A_307 = arith.constant 0 : index
    %swap3A_308 = arith.constant 0 : index
    %swap3A_309 = vector.load %arg12[%swap3A_306, %swap3A_307, %swap3A_308] : memref<12x256x64xf32, #tpu.memory_space<vmem>>, vector<1x256x64xf32>
    %swap3A_310 = vector.shape_cast %swap3A_309 : vector<1x256x64xf32> to vector<256x64xf32>
    %swap3A_311 = vector.shape_cast %concatenate3A_305 : vector<256x64xf32> to vector<1x256x64xf32>
    tpu.vector_store %arg12[%swap3A_306, %swap3A_307, %swap3A_308], %swap3A_311 {strides = array<i32>} : memref<12x256x64xf32, #tpu.memory_space<vmem>>, vector<1x256x64xf32>,
    %mul3A_312 = arith.mulf %get3A_61, %slice3A_297 : vector<256x32xf32>
    %mul3A_313 = arith.mulf %get3A_58, %slice3A_298 : vector<256x32xf32>
    %sub3A_314 = arith.subf %mul3A_312, %mul3A_313 : vector<256x32xf32>
    %mul3A_315 = arith.mulf %get3A_58, %slice3A_297 : vector<256x32xf32>
    %mul3A_316 = arith.mulf %get3A_61, %slice3A_298 : vector<256x32xf32>
    %add3A_317 = arith.addf %mul3A_315, %mul3A_316 : vector<256x32xf32>
    %concatenate3A_318 = tpu.concatenate %sub3A_314, %add3A_317 in 1 : vector<256x32xf32>, vector<256x32xf32> -> vector<256x64xf32>
    %swap3A_319 = arith.constant 6 : index
    %swap3A_320 = arith.constant 0 : index
    %swap3A_321 = arith.constant 0 : index
    %swap3A_322 = vector.load %arg13[%swap3A_319, %swap3A_320, %swap3A_321] : memref<12x256x64xf32, #tpu.memory_space<vmem>>, vector<1x256x64xf32>
    %swap3A_323 = vector.shape_cast %swap3A_322 : vector<1x256x64xf32> to vector<256x64xf32>
    %swap3A_324 = vector.shape_cast %concatenate3A_318 : vector<256x64xf32> to vector<1x256x64xf32>
    tpu.vector_store %arg13[%swap3A_319, %swap3A_320, %swap3A_321], %swap3A_324 {strides = array<i32>} : memref<12x256x64xf32, #tpu.memory_space<vmem>>, vector<1x256x64xf32>,
    %slice3A_325 = vector.extract_strided_slice %add3A_55 {offsets = [0, 384], sizes = [256, 64], strides = [1, 1]} : vector<256x768xf32> to vector<256x64xf32>
    %swap3A_326 = arith.constant 6 : index
    %swap3A_327 = arith.constant 0 : index
    %swap3A_328 = arith.constant 0 : index
    %swap3A_329 = vector.load %arg14[%swap3A_326, %swap3A_327, %swap3A_328] : memref<12x256x64xf32, #tpu.memory_space<vmem>>, vector<1x256x64xf32>
    %swap3A_330 = vector.shape_cast %swap3A_329 : vector<1x256x64xf32> to vector<256x64xf32>
    %swap3A_331 = vector.shape_cast %slice3A_325 : vector<256x64xf32> to vector<1x256x64xf32>
    tpu.vector_store %arg14[%swap3A_326, %swap3A_327, %swap3A_328], %swap3A_331 {strides = array<i32>} : memref<12x256x64xf32, #tpu.memory_space<vmem>>, vector<1x256x64xf32>,
    %slice3A_332 = vector.extract_strided_slice %add3A_35 {offsets = [0, 448], sizes = [256, 64], strides = [1, 1]} : vector<256x768xf32> to vector<256x64xf32>
    %slice3A_333 = vector.extract_strided_slice %add3A_45 {offsets = [0, 448], sizes = [256, 64], strides = [1, 1]} : vector<256x768xf32> to vector<256x64xf32>
    %slice3A_334 = vector.extract_strided_slice %slice3A_332 {offsets = [0, 0], sizes = [256, 32], strides = [1, 1]} : vector<256x64xf32> to vector<256x32xf32>
    %slice3A_335 = vector.extract_strided_slice %slice3A_332 {offsets = [0, 32], sizes = [256, 32], strides = [1, 1]} : vector<256x64xf32> to vector<256x32xf32>
    %slice3A_336 = vector.extract_strided_slice %slice3A_333 {offsets = [0, 0], sizes = [256, 32], strides = [1, 1]} : vector<256x64xf32> to vector<256x32xf32>
    %slice3A_337 = vector.extract_strided_slice %slice3A_333 {offsets = [0, 32], sizes = [256, 32], strides = [1, 1]} : vector<256x64xf32> to vector<256x32xf32>
    %mul3A_338 = arith.mulf %get3A_61, %slice3A_334 : vector<256x32xf32>
    %mul3A_339 = arith.mulf %get3A_58, %slice3A_335 : vector<256x32xf32>
    %sub3A_340 = arith.subf %mul3A_338, %mul3A_339 : vector<256x32xf32>
    %mul3A_341 = arith.mulf %get3A_58, %slice3A_334 : vector<256x32xf32>
    %mul3A_342 = arith.mulf %get3A_61, %slice3A_335 : vector<256x32xf32>
    %add3A_343 = arith.addf %mul3A_341, %mul3A_342 : vector<256x32xf32>
    %concatenate3A_344 = tpu.concatenate %sub3A_340, %add3A_343 in 1 : vector<256x32xf32>, vector<256x32xf32> -> vector<256x64xf32>
    %swap3A_345 = arith.constant 7 : index
    %swap3A_346 = arith.constant 0 : index
    %swap3A_347 = arith.constant 0 : index
    %swap3A_348 = vector.load %arg12[%swap3A_345, %swap3A_346, %swap3A_347] : memref<12x256x64xf32, #tpu.memory_space<vmem>>, vector<1x256x64xf32>
    %swap3A_349 = vector.shape_cast %swap3A_348 : vector<1x256x64xf32> to vector<256x64xf32>
    %swap3A_350 = vector.shape_cast %concatenate3A_344 : vector<256x64xf32> to vector<1x256x64xf32>
    tpu.vector_store %arg12[%swap3A_345, %swap3A_346, %swap3A_347], %swap3A_350 {strides = array<i32>} : memref<12x256x64xf32, #tpu.memory_space<vmem>>, vector<1x256x64xf32>,
    %mul3A_351 = arith.mulf %get3A_61, %slice3A_336 : vector<256x32xf32>
    %mul3A_352 = arith.mulf %get3A_58, %slice3A_337 : vector<256x32xf32>
    %sub3A_353 = arith.subf %mul3A_351, %mul3A_352 : vector<256x32xf32>
    %mul3A_354 = arith.mulf %get3A_58, %slice3A_336 : vector<256x32xf32>
    %mul3A_355 = arith.mulf %get3A_61, %slice3A_337 : vector<256x32xf32>
    %add3A_356 = arith.addf %mul3A_354, %mul3A_355 : vector<256x32xf32>
    %concatenate3A_357 = tpu.concatenate %sub3A_353, %add3A_356 in 1 : vector<256x32xf32>, vector<256x32xf32> -> vector<256x64xf32>
    %swap3A_358 = arith.constant 7 : index
    %swap3A_359 = arith.constant 0 : index
    %swap3A_360 = arith.constant 0 : index
    %swap3A_361 = vector.load %arg13[%swap3A_358, %swap3A_359, %swap3A_360] : memref<12x256x64xf32, #tpu.memory_space<vmem>>, vector<1x256x64xf32>
    %swap3A_362 = vector.shape_cast %swap3A_361 : vector<1x256x64xf32> to vector<256x64xf32>
    %swap3A_363 = vector.shape_cast %concatenate3A_357 : vector<256x64xf32> to vector<1x256x64xf32>
    tpu.vector_store %arg13[%swap3A_358, %swap3A_359, %swap3A_360], %swap3A_363 {strides = array<i32>} : memref<12x256x64xf32, #tpu.memory_space<vmem>>, vector<1x256x64xf32>,
    %slice3A_364 = vector.extract_strided_slice %add3A_55 {offsets = [0, 448], sizes = [256, 64], strides = [1, 1]} : vector<256x768xf32> to vector<256x64xf32>
    %swap3A_365 = arith.constant 7 : index
    %swap3A_366 = arith.constant 0 : index
    %swap3A_367 = arith.constant 0 : index
    %swap3A_368 = vector.load %arg14[%swap3A_365, %swap3A_366, %swap3A_367] : memref<12x256x64xf32, #tpu.memory_space<vmem>>, vector<1x256x64xf32>
    %swap3A_369 = vector.shape_cast %swap3A_368 : vector<1x256x64xf32> to vector<256x64xf32>
    %swap3A_370 = vector.shape_cast %slice3A_364 : vector<256x64xf32> to vector<1x256x64xf32>
    tpu.vector_store %arg14[%swap3A_365, %swap3A_366, %swap3A_367], %swap3A_370 {strides = array<i32>} : memref<12x256x64xf32, #tpu.memory_space<vmem>>, vector<1x256x64xf32>,
    %slice3A_371 = vector.extract_strided_slice %add3A_35 {offsets = [0, 512], sizes = [256, 64], strides = [1, 1]} : vector<256x768xf32> to vector<256x64xf32>
    %slice3A_372 = vector.extract_strided_slice %add3A_45 {offsets = [0, 512], sizes = [256, 64], strides = [1, 1]} : vector<256x768xf32> to vector<256x64xf32>
    %slice3A_373 = vector.extract_strided_slice %slice3A_371 {offsets = [0, 0], sizes = [256, 32], strides = [1, 1]} : vector<256x64xf32> to vector<256x32xf32>
    %slice3A_374 = vector.extract_strided_slice %slice3A_371 {offsets = [0, 32], sizes = [256, 32], strides = [1, 1]} : vector<256x64xf32> to vector<256x32xf32>
    %slice3A_375 = vector.extract_strided_slice %slice3A_372 {offsets = [0, 0], sizes = [256, 32], strides = [1, 1]} : vector<256x64xf32> to vector<256x32xf32>
    %slice3A_376 = vector.extract_strided_slice %slice3A_372 {offsets = [0, 32], sizes = [256, 32], strides = [1, 1]} : vector<256x64xf32> to vector<256x32xf32>
    %mul3A_377 = arith.mulf %get3A_61, %slice3A_373 : vector<256x32xf32>
    %mul3A_378 = arith.mulf %get3A_58, %slice3A_374 : vector<256x32xf32>
    %sub3A_379 = arith.subf %mul3A_377, %mul3A_378 : vector<256x32xf32>
    %mul3A_380 = arith.mulf %get3A_58, %slice3A_373 : vector<256x32xf32>
    %mul3A_381 = arith.mulf %get3A_61, %slice3A_374 : vector<256x32xf32>
    %add3A_382 = arith.addf %mul3A_380, %mul3A_381 : vector<256x32xf32>
    %concatenate3A_383 = tpu.concatenate %sub3A_379, %add3A_382 in 1 : vector<256x32xf32>, vector<256x32xf32> -> vector<256x64xf32>
    %swap3A_384 = arith.constant 8 : index
    %swap3A_385 = arith.constant 0 : index
    %swap3A_386 = arith.constant 0 : index
    %swap3A_387 = vector.load %arg12[%swap3A_384, %swap3A_385, %swap3A_386] : memref<12x256x64xf32, #tpu.memory_space<vmem>>, vector<1x256x64xf32>
    %swap3A_388 = vector.shape_cast %swap3A_387 : vector<1x256x64xf32> to vector<256x64xf32>
    %swap3A_389 = vector.shape_cast %concatenate3A_383 : vector<256x64xf32> to vector<1x256x64xf32>
    tpu.vector_store %arg12[%swap3A_384, %swap3A_385, %swap3A_386], %swap3A_389 {strides = array<i32>} : memref<12x256x64xf32, #tpu.memory_space<vmem>>, vector<1x256x64xf32>,
    %mul3A_390 = arith.mulf %get3A_61, %slice3A_375 : vector<256x32xf32>
    %mul3A_391 = arith.mulf %get3A_58, %slice3A_376 : vector<256x32xf32>
    %sub3A_392 = arith.subf %mul3A_390, %mul3A_391 : vector<256x32xf32>
    %mul3A_393 = arith.mulf %get3A_58, %slice3A_375 : vector<256x32xf32>
    %mul3A_394 = arith.mulf %get3A_61, %slice3A_376 : vector<256x32xf32>
    %add3A_395 = arith.addf %mul3A_393, %mul3A_394 : vector<256x32xf32>
    %concatenate3A_396 = tpu.concatenate %sub3A_392, %add3A_395 in 1 : vector<256x32xf32>, vector<256x32xf32> -> vector<256x64xf32>
    %swap3A_397 = arith.constant 8 : index
    %swap3A_398 = arith.constant 0 : index
    %swap3A_399 = arith.constant 0 : index
    %swap3A_400 = vector.load %arg13[%swap3A_397, %swap3A_398, %swap3A_399] : memref<12x256x64xf32, #tpu.memory_space<vmem>>, vector<1x256x64xf32>
    %swap3A_401 = vector.shape_cast %swap3A_400 : vector<1x256x64xf32> to vector<256x64xf32>
    %swap3A_402 = vector.shape_cast %concatenate3A_396 : vector<256x64xf32> to vector<1x256x64xf32>
    tpu.vector_store %arg13[%swap3A_397, %swap3A_398, %swap3A_399], %swap3A_402 {strides = array<i32>} : memref<12x256x64xf32, #tpu.memory_space<vmem>>, vector<1x256x64xf32>,
    %slice3A_403 = vector.extract_strided_slice %add3A_55 {offsets = [0, 512], sizes = [256, 64], strides = [1, 1]} : vector<256x768xf32> to vector<256x64xf32>
    %swap3A_404 = arith.constant 8 : index
    %swap3A_405 = arith.constant 0 : index
    %swap3A_406 = arith.constant 0 : index
    %swap3A_407 = vector.load %arg14[%swap3A_404, %swap3A_405, %swap3A_406] : memref<12x256x64xf32, #tpu.memory_space<vmem>>, vector<1x256x64xf32>
    %swap3A_408 = vector.shape_cast %swap3A_407 : vector<1x256x64xf32> to vector<256x64xf32>
    %swap3A_409 = vector.shape_cast %slice3A_403 : vector<256x64xf32> to vector<1x256x64xf32>
    tpu.vector_store %arg14[%swap3A_404, %swap3A_405, %swap3A_406], %swap3A_409 {strides = array<i32>} : memref<12x256x64xf32, #tpu.memory_space<vmem>>, vector<1x256x64xf32>,
    %slice3A_410 = vector.extract_strided_slice %add3A_35 {offsets = [0, 576], sizes = [256, 64], strides = [1, 1]} : vector<256x768xf32> to vector<256x64xf32>
    %slice3A_411 = vector.extract_strided_slice %add3A_45 {offsets = [0, 576], sizes = [256, 64], strides = [1, 1]} : vector<256x768xf32> to vector<256x64xf32>
    %slice3A_412 = vector.extract_strided_slice %slice3A_410 {offsets = [0, 0], sizes = [256, 32], strides = [1, 1]} : vector<256x64xf32> to vector<256x32xf32>
    %slice3A_413 = vector.extract_strided_slice %slice3A_410 {offsets = [0, 32], sizes = [256, 32], strides = [1, 1]} : vector<256x64xf32> to vector<256x32xf32>
    %slice3A_414 = vector.extract_strided_slice %slice3A_411 {offsets = [0, 0], sizes = [256, 32], strides = [1, 1]} : vector<256x64xf32> to vector<256x32xf32>
    %slice3A_415 = vector.extract_strided_slice %slice3A_411 {offsets = [0, 32], sizes = [256, 32], strides = [1, 1]} : vector<256x64xf32> to vector<256x32xf32>
    %mul3A_416 = arith.mulf %get3A_61, %slice3A_412 : vector<256x32xf32>
    %mul3A_417 = arith.mulf %get3A_58, %slice3A_413 : vector<256x32xf32>
    %sub3A_418 = arith.subf %mul3A_416, %mul3A_417 : vector<256x32xf32>
    %mul3A_419 = arith.mulf %get3A_58, %slice3A_412 : vector<256x32xf32>
    %mul3A_420 = arith.mulf %get3A_61, %slice3A_413 : vector<256x32xf32>
    %add3A_421 = arith.addf %mul3A_419, %mul3A_420 : vector<256x32xf32>
    %concatenate3A_422 = tpu.concatenate %sub3A_418, %add3A_421 in 1 : vector<256x32xf32>, vector<256x32xf32> -> vector<256x64xf32>
    %swap3A_423 = arith.constant 9 : index
    %swap3A_424 = arith.constant 0 : index
    %swap3A_425 = arith.constant 0 : index
    %swap3A_426 = vector.load %arg12[%swap3A_423, %swap3A_424, %swap3A_425] : memref<12x256x64xf32, #tpu.memory_space<vmem>>, vector<1x256x64xf32>
    %swap3A_427 = vector.shape_cast %swap3A_426 : vector<1x256x64xf32> to vector<256x64xf32>
    %swap3A_428 = vector.shape_cast %concatenate3A_422 : vector<256x64xf32> to vector<1x256x64xf32>
    tpu.vector_store %arg12[%swap3A_423, %swap3A_424, %swap3A_425], %swap3A_428 {strides = array<i32>} : memref<12x256x64xf32, #tpu.memory_space<vmem>>, vector<1x256x64xf32>,
    %mul3A_429 = arith.mulf %get3A_61, %slice3A_414 : vector<256x32xf32>
    %mul3A_430 = arith.mulf %get3A_58, %slice3A_415 : vector<256x32xf32>
    %sub3A_431 = arith.subf %mul3A_429, %mul3A_430 : vector<256x32xf32>
    %mul3A_432 = arith.mulf %get3A_58, %slice3A_414 : vector<256x32xf32>
    %mul3A_433 = arith.mulf %get3A_61, %slice3A_415 : vector<256x32xf32>
    %add3A_434 = arith.addf %mul3A_432, %mul3A_433 : vector<256x32xf32>
    %concatenate3A_435 = tpu.concatenate %sub3A_431, %add3A_434 in 1 : vector<256x32xf32>, vector<256x32xf32> -> vector<256x64xf32>
    %swap3A_436 = arith.constant 9 : index
    %swap3A_437 = arith.constant 0 : index
    %swap3A_438 = arith.constant 0 : index
    %swap3A_439 = vector.load %arg13[%swap3A_436, %swap3A_437, %swap3A_438] : memref<12x256x64xf32, #tpu.memory_space<vmem>>, vector<1x256x64xf32>
    %swap3A_440 = vector.shape_cast %swap3A_439 : vector<1x256x64xf32> to vector<256x64xf32>
    %swap3A_441 = vector.shape_cast %concatenate3A_435 : vector<256x64xf32> to vector<1x256x64xf32>
    tpu.vector_store %arg13[%swap3A_436, %swap3A_437, %swap3A_438], %swap3A_441 {strides = array<i32>} : memref<12x256x64xf32, #tpu.memory_space<vmem>>, vector<1x256x64xf32>,
    %slice3A_442 = vector.extract_strided_slice %add3A_55 {offsets = [0, 576], sizes = [256, 64], strides = [1, 1]} : vector<256x768xf32> to vector<256x64xf32>
    %swap3A_443 = arith.constant 9 : index
    %swap3A_444 = arith.constant 0 : index
    %swap3A_445 = arith.constant 0 : index
    %swap3A_446 = vector.load %arg14[%swap3A_443, %swap3A_444, %swap3A_445] : memref<12x256x64xf32, #tpu.memory_space<vmem>>, vector<1x256x64xf32>
    %swap3A_447 = vector.shape_cast %swap3A_446 : vector<1x256x64xf32> to vector<256x64xf32>
    %swap3A_448 = vector.shape_cast %slice3A_442 : vector<256x64xf32> to vector<1x256x64xf32>
    tpu.vector_store %arg14[%swap3A_443, %swap3A_444, %swap3A_445], %swap3A_448 {strides = array<i32>} : memref<12x256x64xf32, #tpu.memory_space<vmem>>, vector<1x256x64xf32>,
    %slice3A_449 = vector.extract_strided_slice %add3A_35 {offsets = [0, 640], sizes = [256, 64], strides = [1, 1]} : vector<256x768xf32> to vector<256x64xf32>
    %slice3A_450 = vector.extract_strided_slice %add3A_45 {offsets = [0, 640], sizes = [256, 64], strides = [1, 1]} : vector<256x768xf32> to vector<256x64xf32>
    %slice3A_451 = vector.extract_strided_slice %slice3A_449 {offsets = [0, 0], sizes = [256, 32], strides = [1, 1]} : vector<256x64xf32> to vector<256x32xf32>
    %slice3A_452 = vector.extract_strided_slice %slice3A_449 {offsets = [0, 32], sizes = [256, 32], strides = [1, 1]} : vector<256x64xf32> to vector<256x32xf32>
    %slice3A_453 = vector.extract_strided_slice %slice3A_450 {offsets = [0, 0], sizes = [256, 32], strides = [1, 1]} : vector<256x64xf32> to vector<256x32xf32>
    %slice3A_454 = vector.extract_strided_slice %slice3A_450 {offsets = [0, 32], sizes = [256, 32], strides = [1, 1]} : vector<256x64xf32> to vector<256x32xf32>
    %mul3A_455 = arith.mulf %get3A_61, %slice3A_451 : vector<256x32xf32>
    %mul3A_456 = arith.mulf %get3A_58, %slice3A_452 : vector<256x32xf32>
    %sub3A_457 = arith.subf %mul3A_455, %mul3A_456 : vector<256x32xf32>
    %mul3A_458 = arith.mulf %get3A_58, %slice3A_451 : vector<256x32xf32>
    %mul3A_459 = arith.mulf %get3A_61, %slice3A_452 : vector<256x32xf32>
    %add3A_460 = arith.addf %mul3A_458, %mul3A_459 : vector<256x32xf32>
    %concatenate3A_461 = tpu.concatenate %sub3A_457, %add3A_460 in 1 : vector<256x32xf32>, vector<256x32xf32> -> vector<256x64xf32>
    %swap3A_462 = arith.constant 10 : index
    %swap3A_463 = arith.constant 0 : index
    %swap3A_464 = arith.constant 0 : index
    %swap3A_465 = vector.load %arg12[%swap3A_462, %swap3A_463, %swap3A_464] : memref<12x256x64xf32, #tpu.memory_space<vmem>>, vector<1x256x64xf32>
    %swap3A_466 = vector.shape_cast %swap3A_465 : vector<1x256x64xf32> to vector<256x64xf32>
    %swap3A_467 = vector.shape_cast %concatenate3A_461 : vector<256x64xf32> to vector<1x256x64xf32>
    tpu.vector_store %arg12[%swap3A_462, %swap3A_463, %swap3A_464], %swap3A_467 {strides = array<i32>} : memref<12x256x64xf32, #tpu.memory_space<vmem>>, vector<1x256x64xf32>,
    %mul3A_468 = arith.mulf %get3A_61, %slice3A_453 : vector<256x32xf32>
    %mul3A_469 = arith.mulf %get3A_58, %slice3A_454 : vector<256x32xf32>
    %sub3A_470 = arith.subf %mul3A_468, %mul3A_469 : vector<256x32xf32>
    %mul3A_471 = arith.mulf %get3A_58, %slice3A_453 : vector<256x32xf32>
    %mul3A_472 = arith.mulf %get3A_61, %slice3A_454 : vector<256x32xf32>
    %add3A_473 = arith.addf %mul3A_471, %mul3A_472 : vector<256x32xf32>
    %concatenate3A_474 = tpu.concatenate %sub3A_470, %add3A_473 in 1 : vector<256x32xf32>, vector<256x32xf32> -> vector<256x64xf32>
    %swap3A_475 = arith.constant 10 : index
    %swap3A_476 = arith.constant 0 : index
    %swap3A_477 = arith.constant 0 : index
    %swap3A_478 = vector.load %arg13[%swap3A_475, %swap3A_476, %swap3A_477] : memref<12x256x64xf32, #tpu.memory_space<vmem>>, vector<1x256x64xf32>
    %swap3A_479 = vector.shape_cast %swap3A_478 : vector<1x256x64xf32> to vector<256x64xf32>
    %swap3A_480 = vector.shape_cast %concatenate3A_474 : vector<256x64xf32> to vector<1x256x64xf32>
    tpu.vector_store %arg13[%swap3A_475, %swap3A_476, %swap3A_477], %swap3A_480 {strides = array<i32>} : memref<12x256x64xf32, #tpu.memory_space<vmem>>, vector<1x256x64xf32>,
    %slice3A_481 = vector.extract_strided_slice %add3A_55 {offsets = [0, 640], sizes = [256, 64], strides = [1, 1]} : vector<256x768xf32> to vector<256x64xf32>
    %swap3A_482 = arith.constant 10 : index
    %swap3A_483 = arith.constant 0 : index
    %swap3A_484 = arith.constant 0 : index
    %swap3A_485 = vector.load %arg14[%swap3A_482, %swap3A_483, %swap3A_484] : memref<12x256x64xf32, #tpu.memory_space<vmem>>, vector<1x256x64xf32>
    %swap3A_486 = vector.shape_cast %swap3A_485 : vector<1x256x64xf32> to vector<256x64xf32>
    %swap3A_487 = vector.shape_cast %slice3A_481 : vector<256x64xf32> to vector<1x256x64xf32>
    tpu.vector_store %arg14[%swap3A_482, %swap3A_483, %swap3A_484], %swap3A_487 {strides = array<i32>} : memref<12x256x64xf32, #tpu.memory_space<vmem>>, vector<1x256x64xf32>,
    %slice3A_488 = vector.extract_strided_slice %add3A_35 {offsets = [0, 704], sizes = [256, 64], strides = [1, 1]} : vector<256x768xf32> to vector<256x64xf32>
    %slice3A_489 = vector.extract_strided_slice %add3A_45 {offsets = [0, 704], sizes = [256, 64], strides = [1, 1]} : vector<256x768xf32> to vector<256x64xf32>
    %slice3A_490 = vector.extract_strided_slice %slice3A_488 {offsets = [0, 0], sizes = [256, 32], strides = [1, 1]} : vector<256x64xf32> to vector<256x32xf32>
    %slice3A_491 = vector.extract_strided_slice %slice3A_488 {offsets = [0, 32], sizes = [256, 32], strides = [1, 1]} : vector<256x64xf32> to vector<256x32xf32>
    %slice3A_492 = vector.extract_strided_slice %slice3A_489 {offsets = [0, 0], sizes = [256, 32], strides = [1, 1]} : vector<256x64xf32> to vector<256x32xf32>
    %slice3A_493 = vector.extract_strided_slice %slice3A_489 {offsets = [0, 32], sizes = [256, 32], strides = [1, 1]} : vector<256x64xf32> to vector<256x32xf32>
    %mul3A_494 = arith.mulf %get3A_61, %slice3A_490 : vector<256x32xf32>
    %mul3A_495 = arith.mulf %get3A_58, %slice3A_491 : vector<256x32xf32>
    %sub3A_496 = arith.subf %mul3A_494, %mul3A_495 : vector<256x32xf32>
    %mul3A_497 = arith.mulf %get3A_58, %slice3A_490 : vector<256x32xf32>
    %mul3A_498 = arith.mulf %get3A_61, %slice3A_491 : vector<256x32xf32>
    %add3A_499 = arith.addf %mul3A_497, %mul3A_498 : vector<256x32xf32>
    %concatenate3A_500 = tpu.concatenate %sub3A_496, %add3A_499 in 1 : vector<256x32xf32>, vector<256x32xf32> -> vector<256x64xf32>
    %swap3A_501 = arith.constant 11 : index
    %swap3A_502 = arith.constant 0 : index
    %swap3A_503 = arith.constant 0 : index
    %swap3A_504 = vector.load %arg12[%swap3A_501, %swap3A_502, %swap3A_503] : memref<12x256x64xf32, #tpu.memory_space<vmem>>, vector<1x256x64xf32>
    %swap3A_505 = vector.shape_cast %swap3A_504 : vector<1x256x64xf32> to vector<256x64xf32>
    %swap3A_506 = vector.shape_cast %concatenate3A_500 : vector<256x64xf32> to vector<1x256x64xf32>
    tpu.vector_store %arg12[%swap3A_501, %swap3A_502, %swap3A_503], %swap3A_506 {strides = array<i32>} : memref<12x256x64xf32, #tpu.memory_space<vmem>>, vector<1x256x64xf32>,
    %mul3A_507 = arith.mulf %get3A_61, %slice3A_492 : vector<256x32xf32>
    %mul3A_508 = arith.mulf %get3A_58, %slice3A_493 : vector<256x32xf32>
    %sub3A_509 = arith.subf %mul3A_507, %mul3A_508 : vector<256x32xf32>
    %mul3A_510 = arith.mulf %get3A_58, %slice3A_492 : vector<256x32xf32>
    %mul3A_511 = arith.mulf %get3A_61, %slice3A_493 : vector<256x32xf32>
    %add3A_512 = arith.addf %mul3A_510, %mul3A_511 : vector<256x32xf32>
    %concatenate3A_513 = tpu.concatenate %sub3A_509, %add3A_512 in 1 : vector<256x32xf32>, vector<256x32xf32> -> vector<256x64xf32>
    %swap3A_514 = arith.constant 11 : index
    %swap3A_515 = arith.constant 0 : index
    %swap3A_516 = arith.constant 0 : index
    %swap3A_517 = vector.load %arg13[%swap3A_514, %swap3A_515, %swap3A_516] : memref<12x256x64xf32, #tpu.memory_space<vmem>>, vector<1x256x64xf32>
    %swap3A_518 = vector.shape_cast %swap3A_517 : vector<1x256x64xf32> to vector<256x64xf32>
    %swap3A_519 = vector.shape_cast %concatenate3A_513 : vector<256x64xf32> to vector<1x256x64xf32>
    tpu.vector_store %arg13[%swap3A_514, %swap3A_515, %swap3A_516], %swap3A_519 {strides = array<i32>} : memref<12x256x64xf32, #tpu.memory_space<vmem>>, vector<1x256x64xf32>,
    %slice3A_520 = vector.extract_strided_slice %add3A_55 {offsets = [0, 704], sizes = [256, 64], strides = [1, 1]} : vector<256x768xf32> to vector<256x64xf32>
    %swap3A_521 = arith.constant 11 : index
    %swap3A_522 = arith.constant 0 : index
    %swap3A_523 = arith.constant 0 : index
    %swap3A_524 = vector.load %arg14[%swap3A_521, %swap3A_522, %swap3A_523] : memref<12x256x64xf32, #tpu.memory_space<vmem>>, vector<1x256x64xf32>
    %swap3A_525 = vector.shape_cast %swap3A_524 : vector<1x256x64xf32> to vector<256x64xf32>
    %swap3A_526 = vector.shape_cast %slice3A_520 : vector<256x64xf32> to vector<1x256x64xf32>
    tpu.vector_store %arg14[%swap3A_521, %swap3A_522, %swap3A_523], %swap3A_526 {strides = array<i32>} : memref<12x256x64xf32, #tpu.memory_space<vmem>>, vector<1x256x64xf32>,
    return
  }
  func.func @transform_0(%arg0: i32) -> (i32, i32) {
    %c0_i32 = arith.constant 0 : i32
    %c0_i32_0 = arith.constant 0 : i32
    return %arg0, %c0_i32 : i32, i32
  }
  func.func @transform_1(%arg0: i32) -> (i32, i32) {
    %c0_i32 = arith.constant 0 : i32
    %c0_i32_0 = arith.constant 0 : i32
    %c0_i32_1 = arith.constant 0 : i32
    return %c0_i32, %c0_i32_0 : i32, i32
  }
  func.func @transform_2(%arg0: i32) -> (i32, i32) {
    %c0_i32 = arith.constant 0 : i32
    %c0_i32_0 = arith.constant 0 : i32
    %c0_i32_1 = arith.constant 0 : i32
    return %c0_i32, %c0_i32_0 : i32, i32
  }
  func.func @transform_3(%arg0: i32) -> (i32, i32) {
    %c0_i32 = arith.constant 0 : i32
    %c0_i32_0 = arith.constant 0 : i32
    %c0_i32_1 = arith.constant 0 : i32
    return %c0_i32, %c0_i32_0 : i32, i32
  }
  func.func @transform_4(%arg0: i32) -> (i32, i32) {
    %c0_i32 = arith.constant 0 : i32
    %c0_i32_0 = arith.constant 0 : i32
    %c0_i32_1 = arith.constant 0 : i32
    return %c0_i32, %c0_i32_0 : i32, i32
  }
  func.func @transform_5(%arg0: i32) -> (i32, i32) {
    %c0_i32 = arith.constant 0 : i32
    %c0_i32_0 = arith.constant 0 : i32
    %c0_i32_1 = arith.constant 0 : i32
    return %c0_i32, %c0_i32_0 : i32, i32
  }
  func.func @transform_6(%arg0: i32) -> (i32, i32) {
    %c0_i32 = arith.constant 0 : i32
    %c0_i32_0 = arith.constant 0 : i32
    %c0_i32_1 = arith.constant 0 : i32
    return %c0_i32, %c0_i32_0 : i32, i32
  }
  func.func @transform_7(%arg0: i32) -> (i32, i32) {
    %c0_i32 = arith.constant 0 : i32
    %c0_i32_0 = arith.constant 0 : i32
    %c0_i32_1 = arith.constant 0 : i32
    return %c0_i32, %c0_i32_0 : i32, i32
  }
  func.func @transform_8(%arg0: i32) -> (i32, i32) {
    %c0_i32 = arith.constant 0 : i32
    %c0_i32_0 = arith.constant 0 : i32
    %c0_i32_1 = arith.constant 0 : i32
    return %c0_i32, %c0_i32_0 : i32, i32
  }
  func.func @transform_9(%arg0: i32) -> (i32, i32) {
    %c0_i32 = arith.constant 0 : i32
    %c0_i32_0 = arith.constant 0 : i32
    return %arg0, %c0_i32 : i32, i32
  }
  func.func @transform_10(%arg0: i32) -> (i32, i32) {
    %c0_i32 = arith.constant 0 : i32
    %c0_i32_0 = arith.constant 0 : i32
    return %arg0, %c0_i32 : i32, i32
  }
  func.func @transform_11(%arg0: i32) -> (i32, i32, i32) {
    %c0_i32 = arith.constant 0 : i32
    %c0_i32_0 = arith.constant 0 : i32
    %c0_i32_1 = arith.constant 0 : i32
    return %c0_i32, %arg0, %c0_i32_0 : i32, i32, i32
  }
  func.func @transform_12(%arg0: i32) -> (i32, i32, i32) {
    %c0_i32 = arith.constant 0 : i32
    %c0_i32_0 = arith.constant 0 : i32
    %c0_i32_1 = arith.constant 0 : i32
    return %c0_i32, %arg0, %c0_i32_0 : i32, i32, i32
  }
  func.func @transform_13(%arg0: i32) -> (i32, i32, i32) {
    %c0_i32 = arith.constant 0 : i32
    %c0_i32_0 = arith.constant 0 : i32
    %c0_i32_1 = arith.constant 0 : i32
    return %c0_i32, %arg0, %c0_i32_0 : i32, i32, i32
  }
}

module attributes {stable_mosaic.version = 14 : i64} {
  func.func @_post_kernel(%arg0: i32, %arg1: memref<12x256x64xf32, #tpu.memory_space<vmem>>, %arg2: memref<256x768xf32, #tpu.memory_space<vmem>>, %arg3: memref<768x768xf32, #tpu.memory_space<vmem>>, %arg4: memref<1x768xf32, #tpu.memory_space<vmem>>, %arg5: memref<1x768xf32, #tpu.memory_space<vmem>>, %arg6: memref<1x768xf32, #tpu.memory_space<vmem>>, %arg7: memref<768x8xf32, #tpu.memory_space<vmem>>, %arg8: memref<256x768xf32, #tpu.memory_space<vmem>>, %arg9: memref<256x768xbf16, #tpu.memory_space<vmem>>, %arg10: memref<256x2xi32, #tpu.memory_space<vmem>>, %arg11: memref<256x2xf32, #tpu.memory_space<vmem>>, %arg12: memref<1x8xf32, #tpu.memory_space<vmem>>, %arg13: memref<1x8xf32, #tpu.memory_space<vmem>>) attributes {dimension_semantics = [#tpu.dimension_semantics<arbitrary>], iteration_bounds = array<i64: 8>, scalar_prefetch = 0 : i64, scratch_operands = 0 : i64, tpu.core_type = #tpu.core_type<tc>, window_params = [{transform_indices = @transform_0, window_bounds = array<i64: 12, 256, 64>}, {transform_indices = @transform_1, window_bounds = array<i64: 256, 768>}, {pipeline_mode = #tpu.pipeline_mode<synchronous>, transform_indices = @transform_2, window_bounds = array<i64: 768, 768>}, {pipeline_mode = #tpu.pipeline_mode<synchronous>, transform_indices = @transform_3, window_bounds = array<i64: 1, 768>}, {pipeline_mode = #tpu.pipeline_mode<synchronous>, transform_indices = @transform_4, window_bounds = array<i64: 1, 768>}, {pipeline_mode = #tpu.pipeline_mode<synchronous>, transform_indices = @transform_5, window_bounds = array<i64: 1, 768>}, {pipeline_mode = #tpu.pipeline_mode<synchronous>, transform_indices = @transform_6, window_bounds = array<i64: 768, 8>}, {transform_indices = @transform_7, window_bounds = array<i64: 256, 768>}, {transform_indices = @transform_8, window_bounds = array<i64: 256, 768>}, {transform_indices = @transform_9, window_bounds = array<i64: 256, 2>}, {transform_indices = @transform_10, window_bounds = array<i64: 256, 2>}, {pipeline_mode = #tpu.pipeline_mode<synchronous>, transform_indices = @transform_11, window_bounds = array<i64: 1, 8>}, {pipeline_mode = #tpu.pipeline_mode<synchronous>, transform_indices = @transform_12, window_bounds = array<i64: 1, 8>}]} {
    %get3A = arith.constant 0 : index
    %get3A_0 = arith.constant 0 : index
    %get3A_1 = arith.constant 0 : index
    %get3A_2 = vector.load %arg1[%get3A, %get3A_0, %get3A_1] : memref<12x256x64xf32, #tpu.memory_space<vmem>>, vector<1x256x64xf32>
    %get3A_3 = vector.shape_cast %get3A_2 : vector<1x256x64xf32> to vector<256x64xf32>
    %get3A_4 = arith.constant 1 : index
    %get3A_5 = arith.constant 0 : index
    %get3A_6 = arith.constant 0 : index
    %get3A_7 = vector.load %arg1[%get3A_4, %get3A_5, %get3A_6] : memref<12x256x64xf32, #tpu.memory_space<vmem>>, vector<1x256x64xf32>
    %get3A_8 = vector.shape_cast %get3A_7 : vector<1x256x64xf32> to vector<256x64xf32>
    %get3A_9 = arith.constant 2 : index
    %get3A_10 = arith.constant 0 : index
    %get3A_11 = arith.constant 0 : index
    %get3A_12 = vector.load %arg1[%get3A_9, %get3A_10, %get3A_11] : memref<12x256x64xf32, #tpu.memory_space<vmem>>, vector<1x256x64xf32>
    %get3A_13 = vector.shape_cast %get3A_12 : vector<1x256x64xf32> to vector<256x64xf32>
    %get3A_14 = arith.constant 3 : index
    %get3A_15 = arith.constant 0 : index
    %get3A_16 = arith.constant 0 : index
    %get3A_17 = vector.load %arg1[%get3A_14, %get3A_15, %get3A_16] : memref<12x256x64xf32, #tpu.memory_space<vmem>>, vector<1x256x64xf32>
    %get3A_18 = vector.shape_cast %get3A_17 : vector<1x256x64xf32> to vector<256x64xf32>
    %get3A_19 = arith.constant 4 : index
    %get3A_20 = arith.constant 0 : index
    %get3A_21 = arith.constant 0 : index
    %get3A_22 = vector.load %arg1[%get3A_19, %get3A_20, %get3A_21] : memref<12x256x64xf32, #tpu.memory_space<vmem>>, vector<1x256x64xf32>
    %get3A_23 = vector.shape_cast %get3A_22 : vector<1x256x64xf32> to vector<256x64xf32>
    %get3A_24 = arith.constant 5 : index
    %get3A_25 = arith.constant 0 : index
    %get3A_26 = arith.constant 0 : index
    %get3A_27 = vector.load %arg1[%get3A_24, %get3A_25, %get3A_26] : memref<12x256x64xf32, #tpu.memory_space<vmem>>, vector<1x256x64xf32>
    %get3A_28 = vector.shape_cast %get3A_27 : vector<1x256x64xf32> to vector<256x64xf32>
    %get3A_29 = arith.constant 6 : index
    %get3A_30 = arith.constant 0 : index
    %get3A_31 = arith.constant 0 : index
    %get3A_32 = vector.load %arg1[%get3A_29, %get3A_30, %get3A_31] : memref<12x256x64xf32, #tpu.memory_space<vmem>>, vector<1x256x64xf32>
    %get3A_33 = vector.shape_cast %get3A_32 : vector<1x256x64xf32> to vector<256x64xf32>
    %get3A_34 = arith.constant 7 : index
    %get3A_35 = arith.constant 0 : index
    %get3A_36 = arith.constant 0 : index
    %get3A_37 = vector.load %arg1[%get3A_34, %get3A_35, %get3A_36] : memref<12x256x64xf32, #tpu.memory_space<vmem>>, vector<1x256x64xf32>
    %get3A_38 = vector.shape_cast %get3A_37 : vector<1x256x64xf32> to vector<256x64xf32>
    %get3A_39 = arith.constant 8 : index
    %get3A_40 = arith.constant 0 : index
    %get3A_41 = arith.constant 0 : index
    %get3A_42 = vector.load %arg1[%get3A_39, %get3A_40, %get3A_41] : memref<12x256x64xf32, #tpu.memory_space<vmem>>, vector<1x256x64xf32>
    %get3A_43 = vector.shape_cast %get3A_42 : vector<1x256x64xf32> to vector<256x64xf32>
    %get3A_44 = arith.constant 9 : index
    %get3A_45 = arith.constant 0 : index
    %get3A_46 = arith.constant 0 : index
    %get3A_47 = vector.load %arg1[%get3A_44, %get3A_45, %get3A_46] : memref<12x256x64xf32, #tpu.memory_space<vmem>>, vector<1x256x64xf32>
    %get3A_48 = vector.shape_cast %get3A_47 : vector<1x256x64xf32> to vector<256x64xf32>
    %get3A_49 = arith.constant 10 : index
    %get3A_50 = arith.constant 0 : index
    %get3A_51 = arith.constant 0 : index
    %get3A_52 = vector.load %arg1[%get3A_49, %get3A_50, %get3A_51] : memref<12x256x64xf32, #tpu.memory_space<vmem>>, vector<1x256x64xf32>
    %get3A_53 = vector.shape_cast %get3A_52 : vector<1x256x64xf32> to vector<256x64xf32>
    %get3A_54 = arith.constant 11 : index
    %get3A_55 = arith.constant 0 : index
    %get3A_56 = arith.constant 0 : index
    %get3A_57 = vector.load %arg1[%get3A_54, %get3A_55, %get3A_56] : memref<12x256x64xf32, #tpu.memory_space<vmem>>, vector<1x256x64xf32>
    %get3A_58 = vector.shape_cast %get3A_57 : vector<1x256x64xf32> to vector<256x64xf32>
    %concatenate3A = tpu.concatenate %get3A_3, %get3A_8, %get3A_13, %get3A_18, %get3A_23, %get3A_28, %get3A_33, %get3A_38, %get3A_43, %get3A_48, %get3A_53, %get3A_58 in 1 : vector<256x64xf32>, vector<256x64xf32>, vector<256x64xf32>, vector<256x64xf32>, vector<256x64xf32>, vector<256x64xf32>, vector<256x64xf32>, vector<256x64xf32>, vector<256x64xf32>, vector<256x64xf32>, vector<256x64xf32>, vector<256x64xf32> -> vector<256x768xf32>
    %get3A_59 = arith.constant 0 : index
    %get3A_60 = arith.constant 0 : index
    %get3A_61 = vector.load %arg2[%get3A_59, %get3A_60] : memref<256x768xf32, #tpu.memory_space<vmem>>, vector<256x768xf32>
    %get3A_62 = arith.constant 0 : index
    %get3A_63 = arith.constant 0 : index
    %get3A_64 = vector.load %arg3[%get3A_62, %get3A_63] : memref<768x768xf32, #tpu.memory_space<vmem>>, vector<768x768xf32>
    %dot_general3A = arith.constant dense<0.000000e+00> : vector<256x768xf32>
    %dot_general3A_65 = tpu.matmul %concatenate3A, %get3A_64, %dot_general3A {dimension_numbers = #tpu.dot_dimension_numbers<[1], [0], [0], [1], [0, 0, 1, 1], [], []>, transpose_lhs_hint = false} : vector<256x768xf32>, vector<768x768xf32>, vector<256x768xf32> -> vector<256x768xf32>
    %add3A = arith.addf %get3A_61, %dot_general3A_65 : vector<256x768xf32>
    %get3A_66 = arith.constant 0 : index
    %get3A_67 = arith.constant 0 : index
    %get3A_68 = vector.load %arg4[%get3A_66, %get3A_67] : memref<1x768xf32, #tpu.memory_space<vmem>>, vector<1x768xf32>
    %add3A_69 = vector.broadcast %get3A_68 : vector<1x768xf32> to vector<256x768xf32>
    %add3A_70 = arith.addf %add3A, %add3A_69 : vector<256x768xf32>
    %swap3A = arith.constant 0 : index
    %swap3A_71 = arith.constant 0 : index
    %swap3A_72 = vector.load %arg8[%swap3A, %swap3A_71] : memref<256x768xf32, #tpu.memory_space<vmem>>, vector<256x768xf32>
    tpu.vector_store %arg8[%swap3A, %swap3A_71], %add3A_70 {strides = array<i32>} : memref<256x768xf32, #tpu.memory_space<vmem>>, vector<256x768xf32>,
    %get3A_73 = arith.constant 0 : index
    %get3A_74 = arith.constant 0 : index
    %get3A_75 = vector.load %arg5[%get3A_73, %get3A_74] : memref<1x768xf32, #tpu.memory_space<vmem>>, vector<1x768xf32>
    %get3A_76 = arith.constant 0 : index
    %get3A_77 = arith.constant 0 : index
    %get3A_78 = vector.load %arg6[%get3A_76, %get3A_77] : memref<1x768xf32, #tpu.memory_space<vmem>>, vector<1x768xf32>
    %reduce_sum3A = arith.constant dense<0.000000e+00> : vector<256xf32>
    %reduce_sum3A_79 = vector.multi_reduction <add>, %add3A_70, %reduce_sum3A [1] : vector<256x768xf32> to vector<256xf32>
    %broadcast_in_dim3A = vector.shape_cast %reduce_sum3A_79 : vector<256xf32> to vector<256x1xf32>
    %div3A = arith.constant 7.680000e+02 : f32
    %div3A_80 = vector.broadcast %div3A : f32 to vector<256x1xf32>
    %div3A_81 = arith.divf %broadcast_in_dim3A, %div3A_80 : vector<256x1xf32>
    %sub3A = vector.broadcast %div3A_81 : vector<256x1xf32> to vector<256x768xf32>
    %sub3A_82 = arith.subf %add3A_70, %sub3A : vector<256x768xf32>
    %integer_pow3A = arith.mulf %sub3A_82, %sub3A_82 : vector<256x768xf32>
    %reduce_sum3A_83 = arith.constant dense<0.000000e+00> : vector<256xf32>
    %reduce_sum3A_84 = vector.multi_reduction <add>, %integer_pow3A, %reduce_sum3A_83 [1] : vector<256x768xf32> to vector<256xf32>
    %broadcast_in_dim3A_85 = vector.shape_cast %reduce_sum3A_84 : vector<256xf32> to vector<256x1xf32>
    %div3A_86 = arith.constant 7.680000e+02 : f32
    %div3A_87 = vector.broadcast %div3A_86 : f32 to vector<256x1xf32>
    %div3A_88 = arith.divf %broadcast_in_dim3A_85, %div3A_87 : vector<256x1xf32>
    %sub3A_89 = vector.broadcast %div3A_81 : vector<256x1xf32> to vector<256x768xf32>
    %sub3A_90 = arith.subf %add3A_70, %sub3A_89 : vector<256x768xf32>
    %add3A_91 = arith.constant 9.99999974E-6 : f32
    %add3A_92 = vector.broadcast %add3A_91 : f32 to vector<256x1xf32>
    %add3A_93 = arith.addf %div3A_88, %add3A_92 : vector<256x1xf32>
    %sqrt3A = math.sqrt %add3A_93 : vector<256x1xf32>
    %div3A_94 = vector.broadcast %sqrt3A : vector<256x1xf32> to vector<256x768xf32>
    %div3A_95 = arith.divf %sub3A_90, %div3A_94 : vector<256x768xf32>
    %mul3A = vector.broadcast %get3A_75 : vector<1x768xf32> to vector<256x768xf32>
    %mul3A_96 = arith.mulf %div3A_95, %mul3A : vector<256x768xf32>
    %add3A_97 = vector.broadcast %get3A_78 : vector<1x768xf32> to vector<256x768xf32>
    %add3A_98 = arith.addf %mul3A_96, %add3A_97 : vector<256x768xf32>
    %convert_element_type3A = arith.truncf %add3A_98 : vector<256x768xf32> to vector<256x768xbf16>
    %swap3A_99 = arith.constant 0 : index
    %swap3A_100 = arith.constant 0 : index
    %swap3A_101 = vector.load %arg9[%swap3A_99, %swap3A_100] : memref<256x768xbf16, #tpu.memory_space<vmem>>, vector<256x768xbf16>
    tpu.vector_store %arg9[%swap3A_99, %swap3A_100], %convert_element_type3A {strides = array<i32>} : memref<256x768xbf16, #tpu.memory_space<vmem>>, vector<256x768xbf16>,
    %get3A_102 = arith.constant 0 : index
    %get3A_103 = arith.constant 0 : index
    %get3A_104 = vector.load %arg7[%get3A_102, %get3A_103] : memref<768x8xf32, #tpu.memory_space<vmem>>, vector<768x8xf32>
    %dot_general3A_105 = arith.constant dense<0.000000e+00> : vector<256x8xf32>
    %dot_general3A_106 = tpu.matmul %add3A_98, %get3A_104, %dot_general3A_105 {dimension_numbers = #tpu.dot_dimension_numbers<[1], [0], [0], [1], [0, 0, 1, 1], [], []>, transpose_lhs_hint = false} : vector<256x768xf32>, vector<768x8xf32>, vector<256x8xf32> -> vector<256x8xf32>
    %reduce_max3A = arith.constant dense<0xFF800000> : vector<256xf32>
    %reduce_max3A_107 = vector.multi_reduction <maximumf>, %dot_general3A_106, %reduce_max3A [1] : vector<256x8xf32> to vector<256xf32>
    %broadcast_in_dim3A_108 = vector.shape_cast %reduce_max3A_107 : vector<256xf32> to vector<256x1xf32>
    %sub3A_109 = vector.broadcast %broadcast_in_dim3A_108 : vector<256x1xf32> to vector<256x8xf32>
    %sub3A_110 = arith.subf %dot_general3A_106, %sub3A_109 : vector<256x8xf32>
    %exp3A = math.exp %sub3A_110 : vector<256x8xf32>
    %reduce_sum3A_111 = arith.constant dense<0.000000e+00> : vector<256xf32>
    %reduce_sum3A_112 = vector.multi_reduction <add>, %exp3A, %reduce_sum3A_111 [1] : vector<256x8xf32> to vector<256xf32>
    %broadcast_in_dim3A_113 = vector.shape_cast %reduce_sum3A_112 : vector<256xf32> to vector<256x1xf32>
    %div3A_114 = vector.broadcast %broadcast_in_dim3A_113 : vector<256x1xf32> to vector<256x8xf32>
    %div3A_115 = arith.divf %exp3A, %div3A_114 : vector<256x8xf32>
    %log3A = math.log %broadcast_in_dim3A_113 : vector<256x1xf32>
    %add3A_116 = arith.addf %broadcast_in_dim3A_108, %log3A : vector<256x1xf32>
    %iota3A = tpu.iota {dimensions = array<i32: 1>} : vector<256x8xi32>
    %reduce_max3A_117 = arith.constant dense<0xFF800000> : vector<256xf32>
    %reduce_max3A_118 = vector.multi_reduction <maximumf>, %div3A_115, %reduce_max3A_117 [1] : vector<256x8xf32> to vector<256xf32>
    %broadcast_in_dim3A_119 = vector.shape_cast %reduce_max3A_118 : vector<256xf32> to vector<256x1xf32>
    %eq3A = vector.broadcast %broadcast_in_dim3A_119 : vector<256x1xf32> to vector<256x8xf32>
    %eq3A_120 = arith.cmpf oeq, %div3A_115, %eq3A : vector<256x8xf32>
    %jit3A = arith.constant 8 : i32
    %broadcast_in_dim3A_121 = vector.broadcast %jit3A : i32 to vector<256x8xi32>
    %select_n3A = arith.select %eq3A_120, %iota3A, %broadcast_in_dim3A_121 : vector<256x8xi1>, vector<256x8xi32>
    %reduce_min3A = arith.constant dense<2147483647> : vector<256xi32>
    %reduce_min3A_122 = vector.multi_reduction <minsi>, %select_n3A, %reduce_min3A [1] : vector<256x8xi32> to vector<256xi32>
    %broadcast_in_dim3A_123 = vector.shape_cast %reduce_min3A_122 : vector<256xi32> to vector<256x1xi32>
    %eq3A_124 = vector.broadcast %broadcast_in_dim3A_123 : vector<256x1xi32> to vector<256x8xi32>
    %eq3A_125 = arith.cmpi eq, %iota3A, %eq3A_124 : vector<256x8xi32>
    %jit3A_126 = arith.constant -1.000000e+00 : f32
    %broadcast_in_dim3A_127 = vector.broadcast %jit3A_126 : f32 to vector<256x8xf32>
    %select_n3A_128 = arith.select %eq3A_125, %broadcast_in_dim3A_127, %div3A_115 : vector<256x8xi1>, vector<256x8xf32>
    %reduce_max3A_129 = arith.constant dense<0xFF800000> : vector<256xf32>
    %reduce_max3A_130 = vector.multi_reduction <maximumf>, %select_n3A_128, %reduce_max3A_129 [1] : vector<256x8xf32> to vector<256xf32>
    %broadcast_in_dim3A_131 = vector.shape_cast %reduce_max3A_130 : vector<256xf32> to vector<256x1xf32>
    %eq3A_132 = vector.broadcast %broadcast_in_dim3A_131 : vector<256x1xf32> to vector<256x8xf32>
    %eq3A_133 = arith.cmpf oeq, %select_n3A_128, %eq3A_132 : vector<256x8xf32>
    %jit3A_134 = arith.constant 8 : i32
    %broadcast_in_dim3A_135 = vector.broadcast %jit3A_134 : i32 to vector<256x8xi32>
    %select_n3A_136 = arith.select %eq3A_133, %iota3A, %broadcast_in_dim3A_135 : vector<256x8xi1>, vector<256x8xi32>
    %reduce_min3A_137 = arith.constant dense<2147483647> : vector<256xi32>
    %reduce_min3A_138 = vector.multi_reduction <minsi>, %select_n3A_136, %reduce_min3A_137 [1] : vector<256x8xi32> to vector<256xi32>
    %broadcast_in_dim3A_139 = vector.shape_cast %reduce_min3A_138 : vector<256xi32> to vector<256x1xi32>
    %add3A_140 = arith.addf %broadcast_in_dim3A_119, %broadcast_in_dim3A_131 : vector<256x1xf32>
    %add3A_141 = arith.constant 9.99999993E-9 : f32
    %add3A_142 = vector.broadcast %add3A_141 : f32 to vector<256x1xf32>
    %add3A_143 = arith.addf %add3A_140, %add3A_142 : vector<256x1xf32>
    %concatenate3A_144 = tpu.concatenate %broadcast_in_dim3A_123, %broadcast_in_dim3A_139 in 1 : vector<256x1xi32>, vector<256x1xi32> -> vector<256x2xi32>
    %swap3A_145 = arith.constant 0 : index
    %swap3A_146 = arith.constant 0 : index
    %swap3A_147 = vector.load %arg10[%swap3A_145, %swap3A_146] : memref<256x2xi32, #tpu.memory_space<vmem>>, vector<256x2xi32>
    tpu.vector_store %arg10[%swap3A_145, %swap3A_146], %concatenate3A_144 {strides = array<i32>} : memref<256x2xi32, #tpu.memory_space<vmem>>, vector<256x2xi32>,
    %div3A_148 = arith.divf %broadcast_in_dim3A_119, %add3A_143 : vector<256x1xf32>
    %div3A_149 = arith.divf %broadcast_in_dim3A_131, %add3A_143 : vector<256x1xf32>
    %concatenate3A_150 = tpu.concatenate %div3A_148, %div3A_149 in 1 : vector<256x1xf32>, vector<256x1xf32> -> vector<256x2xf32>
    %swap3A_151 = arith.constant 0 : index
    %swap3A_152 = arith.constant 0 : index
    %swap3A_153 = vector.load %arg11[%swap3A_151, %swap3A_152] : memref<256x2xf32, #tpu.memory_space<vmem>>, vector<256x2xf32>
    tpu.vector_store %arg11[%swap3A_151, %swap3A_152], %concatenate3A_150 {strides = array<i32>} : memref<256x2xf32, #tpu.memory_space<vmem>>, vector<256x2xf32>,
    %eq3A_154 = arith.constant 0 : i32
    %eq3A_155 = arith.cmpi eq, %arg0, %eq3A_154 : i32
    %convert_element_type3A_156 = arith.extui %eq3A_155 : i1 to i32
    %cond3A = arith.constant 0 : i32
    %cond3A_157 = arith.cmpi ne, %convert_element_type3A_156, %cond3A : i32
    scf.if %cond3A_157 {
      %broadcast_in_dim3A_181 = arith.constant 0.000000e+00 : f32
      %broadcast_in_dim3A_182 = vector.broadcast %broadcast_in_dim3A_181 : f32 to vector<1x8xf32>
      %swap3A_183 = arith.constant 0 : index
      %swap3A_184 = arith.constant 0 : index
      %swap3A_185 = vector.load %arg12[%swap3A_183, %swap3A_184] : memref<1x8xf32, #tpu.memory_space<vmem>>, vector<1x8xf32>
      tpu.vector_store %arg12[%swap3A_183, %swap3A_184], %broadcast_in_dim3A_182 {strides = array<i32>} : memref<1x8xf32, #tpu.memory_space<vmem>>, vector<1x8xf32>,
      %broadcast_in_dim3A_186 = arith.constant 0.000000e+00 : f32
      %broadcast_in_dim3A_187 = vector.broadcast %broadcast_in_dim3A_186 : f32 to vector<1x8xf32>
      %swap3A_188 = arith.constant 0 : index
      %swap3A_189 = arith.constant 0 : index
      %swap3A_190 = vector.load %arg13[%swap3A_188, %swap3A_189] : memref<1x8xf32, #tpu.memory_space<vmem>>, vector<1x8xf32>
      tpu.vector_store %arg13[%swap3A_188, %swap3A_189], %broadcast_in_dim3A_187 {strides = array<i32>} : memref<1x8xf32, #tpu.memory_space<vmem>>, vector<1x8xf32>,
    } else {
    }
    %get3A_158 = arith.constant 0 : index
    %get3A_159 = arith.constant 0 : index
    %get3A_160 = vector.load %arg12[%get3A_158, %get3A_159] : memref<1x8xf32, #tpu.memory_space<vmem>>, vector<1x8xf32>
    %reduce_sum3A_161 = arith.constant dense<0.000000e+00> : vector<8xf32>
    %reduce_sum3A_162 = vector.multi_reduction <add>, %div3A_115, %reduce_sum3A_161 [0] : vector<256x8xf32> to vector<8xf32>
    %broadcast_in_dim3A_163 = vector.shape_cast %reduce_sum3A_162 : vector<8xf32> to vector<1x8xf32>
    %add3A_164 = arith.addf %get3A_160, %broadcast_in_dim3A_163 : vector<1x8xf32>
    %swap3A_165 = arith.constant 0 : index
    %swap3A_166 = arith.constant 0 : index
    %swap3A_167 = vector.load %arg12[%swap3A_165, %swap3A_166] : memref<1x8xf32, #tpu.memory_space<vmem>>, vector<1x8xf32>
    tpu.vector_store %arg12[%swap3A_165, %swap3A_166], %add3A_164 {strides = array<i32>} : memref<1x8xf32, #tpu.memory_space<vmem>>, vector<1x8xf32>,
    %get3A_168 = arith.constant 0 : index
    %get3A_169 = arith.constant 0 : index
    %get3A_170 = vector.load %arg13[%get3A_168, %get3A_169] : memref<1x8xf32, #tpu.memory_space<vmem>>, vector<1x1xf32>
    %mul3A_171 = arith.mulf %add3A_116, %add3A_116 : vector<256x1xf32>
    %reduce_sum3A_172 = vector.shape_cast %mul3A_171 : vector<256x1xf32> to vector<1x256x1xf32>
    %reduce_sum3A_173 = arith.constant dense<0.000000e+00> : vector<1xf32>
    %reduce_sum3A_174 = vector.multi_reduction <add>, %reduce_sum3A_172, %reduce_sum3A_173 [1, 2] : vector<1x256x1xf32> to vector<1xf32>
    %reduce_sum3A_175 = vector.shape_cast %reduce_sum3A_174 : vector<1xf32> to vector<1x1x1xf32>
    %reduce_sum3A_176 = vector.extract %reduce_sum3A_175[0, 0, 0] : f32 from vector<1x1x1xf32>
    %reshape3A = vector.broadcast %reduce_sum3A_176 : f32 to vector<1x1xf32>
    %add3A_177 = arith.addf %get3A_170, %reshape3A : vector<1x1xf32>
    %swap3A_178 = arith.constant 0 : index
    %swap3A_179 = arith.constant 0 : index
    %swap3A_180 = vector.load %arg13[%swap3A_178, %swap3A_179] : memref<1x8xf32, #tpu.memory_space<vmem>>, vector<1x1xf32>
    tpu.vector_store %arg13[%swap3A_178, %swap3A_179], %add3A_177 {strides = array<i32>} : memref<1x8xf32, #tpu.memory_space<vmem>>, vector<1x1xf32>,
    return
  }
  func.func @transform_0(%arg0: i32) -> (i32, i32, i32) {
    %c0_i32 = arith.constant 0 : i32
    %c0_i32_0 = arith.constant 0 : i32
    %c0_i32_1 = arith.constant 0 : i32
    return %c0_i32, %arg0, %c0_i32_0 : i32, i32, i32
  }
  func.func @transform_1(%arg0: i32) -> (i32, i32) {
    %c0_i32 = arith.constant 0 : i32
    %c0_i32_0 = arith.constant 0 : i32
    return %arg0, %c0_i32 : i32, i32
  }
  func.func @transform_2(%arg0: i32) -> (i32, i32) {
    %c0_i32 = arith.constant 0 : i32
    %c0_i32_0 = arith.constant 0 : i32
    %c0_i32_1 = arith.constant 0 : i32
    return %c0_i32, %c0_i32_0 : i32, i32
  }
  func.func @transform_3(%arg0: i32) -> (i32, i32) {
    %c0_i32 = arith.constant 0 : i32
    %c0_i32_0 = arith.constant 0 : i32
    %c0_i32_1 = arith.constant 0 : i32
    return %c0_i32, %c0_i32_0 : i32, i32
  }
  func.func @transform_4(%arg0: i32) -> (i32, i32) {
    %c0_i32 = arith.constant 0 : i32
    %c0_i32_0 = arith.constant 0 : i32
    %c0_i32_1 = arith.constant 0 : i32
    return %c0_i32, %c0_i32_0 : i32, i32
  }
  func.func @transform_5(%arg0: i32) -> (i32, i32) {
    %c0_i32 = arith.constant 0 : i32
    %c0_i32_0 = arith.constant 0 : i32
    %c0_i32_1 = arith.constant 0 : i32
    return %c0_i32, %c0_i32_0 : i32, i32
  }
  func.func @transform_6(%arg0: i32) -> (i32, i32) {
    %c0_i32 = arith.constant 0 : i32
    %c0_i32_0 = arith.constant 0 : i32
    %c0_i32_1 = arith.constant 0 : i32
    return %c0_i32, %c0_i32_0 : i32, i32
  }
  func.func @transform_7(%arg0: i32) -> (i32, i32) {
    %c0_i32 = arith.constant 0 : i32
    %c0_i32_0 = arith.constant 0 : i32
    return %arg0, %c0_i32 : i32, i32
  }
  func.func @transform_8(%arg0: i32) -> (i32, i32) {
    %c0_i32 = arith.constant 0 : i32
    %c0_i32_0 = arith.constant 0 : i32
    return %arg0, %c0_i32 : i32, i32
  }
  func.func @transform_9(%arg0: i32) -> (i32, i32) {
    %c0_i32 = arith.constant 0 : i32
    %c0_i32_0 = arith.constant 0 : i32
    return %arg0, %c0_i32 : i32, i32
  }
  func.func @transform_10(%arg0: i32) -> (i32, i32) {
    %c0_i32 = arith.constant 0 : i32
    %c0_i32_0 = arith.constant 0 : i32
    return %arg0, %c0_i32 : i32, i32
  }
  func.func @transform_11(%arg0: i32) -> (i32, i32) {
    %c0_i32 = arith.constant 0 : i32
    %c0_i32_0 = arith.constant 0 : i32
    %c0_i32_1 = arith.constant 0 : i32
    return %c0_i32, %c0_i32_0 : i32, i32
  }
  func.func @transform_12(%arg0: i32) -> (i32, i32) {
    %c0_i32 = arith.constant 0 : i32
    %c0_i32_0 = arith.constant 0 : i32
    %c0_i32_1 = arith.constant 0 : i32
    return %c0_i32, %c0_i32_0 : i32, i32
  }
}

</mosaic_0001>

<sc_bundles>
// kernel: gather_offload_async_start.1
scs
__scs_entry_jumppad:
0x0: {  	(pc) =	sbr.rel $0x88, $3  }
0x1: {  	(tag) =	ssettag $0x0;
	lr =	simm.s32 $0x1  }
0x2: {  	[smem:$0x3F93] =	sst lr;
	_ =	strace $0xD0000000  }
0x3: {  	_ = 	snop  }
0x4: {  	_ = 	snop  }
0x5: {  	_ = 	snop  }
0x6: {  	_ = 	snop  }
0x7: {  	_ = 	snop  }
__scs_overlays_trampoline_lowered:
0x8: {  	[smem:$0x3FA2] =	sst s0  }
0x9: {  	[smem:$0x3FA3] =	sst s1  }
0xa: {  	[smem:$0x3FA4] =	sst s2  }
0xb: {  	[smem:$0x3FA5] =	sst s3  }
0xc: {  	[smem:$0x3FA6] =	sst s4  }
0xd: {  	[smem:$0x3FA7] =	sst s5  }
0xe: {  	[smem:$0x3FA8] =	sst s6  }
0xf: {  	[smem:$0x3FA9] =	sst s7  }
0x10: {  	[smem:$0x3FAA] =	sst s8  }
0x11: {  	[smem:$0x3FAB] =	sst s9;
	s0 =	simm.s32 @!p0 $0x0  }
0x12: {  	s1 =	sld [smem:$0x3F91];
	s0 =	simm.s32 @p0 $0x1  }
0x13: {  	[smem:$0x3FAC] =	sst s0;
	s0 =	simm.s32 @!p1 $0x0  }
0x14: {  	s2 =	sld [smem:$0x3F90];
	s0 =	simm.s32 @p1 $0x1  }
0x15: {  	[smem:$0x3FAD] =	sst s0;
	s0 =	simm.s32 @!p2 $0x0  }
0x16: {  	s3 =	sld [smem:$0x3FDB];
	s0 =	simm.s32 @p2 $0x1  }
0x17: {  	s4 =	simm.s32 $0x1BF5;
	[smem:$0x3FAF] =	sst s0  }
0x18: {  	s0 =	sld [smem:$0x3F92];
	_ =	swait.ge [sflag:s4], $0x0  }
0x19: {  	s7 =	sld [smem:$0x3F93]  }
0x1a: {  	s8 =	sadd.s32 $0xFFFFE003, lr  }
0x1b: {  	s9 =	sadd.s32 $0xFFFFFEF7, lr;
	s5 =	simm.s32 $0xFFFFFFFF;
	p2 =	slt.u32 s8, $0xFFFFF086  }
0x1c: {  	p1 =	slt.u32 s9, $0xF7A;
	s5 =	simm.s32 @!p2 $0x0  }
0x1d: {  	s5 =	simm.s32 @p1 $0x1;
	p0 =	seq.s32 s7, s2  }
0x1e: {  	s7 =	smul.u32 @!p0 $0xF7A, s2;
	p2 =	seq.s32 @!p0 s5, $0x0  }
0x1f: {  	s9 =	smul.u32 $0xF7A, s1;
	s8 =	simm.s32 @!p0 $0x1BF5;
	p2 =	por !p2, p0  }
0x20: {  	[sflag:s8] =	ssyncset.s32 @!p0 $0xFFFFF086;
	s6 =	sadd.s32 @!p0 s3, s7;
	s7 =	simm.s32 @!p0 $0x108  }
0x21: {  	s3 =	sadd.s32 s3, s9;
	s6 =	sadd.s32 @!p0 $0x88, s6;
	s7 =	simm.s32 @p2 $0x1082  }
0x22: {  	[simem:s7], [sflag:s8] =	dma.local @!p0 [hbm:s6], $0xF7A  }
0x23: {  	s9 =	sor.u32 $0xD0000000, s2;
	s6 =	simm.s32 $0x108;
	_ =	swait.ge @!p0 [sflag:s8], $0x0  }
0x24: {  	s3 =	sadd.s32 $0x88, s3;
	s6 =	simm.s32 @!p1 $0x1082;
	[sflag:s4] =	ssyncset.s32 $0xFFFFF086  }
0x25: {  	[simem:s6], [sflag:s4] =	dma.local [hbm:s3], $0xF7A  }
0x26: {  	[smem:$0x3F93] =	sst s1;
	(tag) =	ssettag s2;
	_ =	strace s9  }
0x27: {  	s1 =	sld [smem:$0x3FA3]  }
0x28: {  	s2 =	sld [smem:$0x3FA4]  }
0x29: {  	s4 =	sld [smem:$0x3FA6]  }
0x2a: {  	p0 =	seq.s32 s5, $0x0;
	s5 =	sld [smem:$0x3FA7]  }
0x2b: {  	s6 =	sld [smem:$0x3FA8]  }
0x2c: {  	s7 =	sld [smem:$0x3FA9]  }
0x2d: {  	s3 =	simm.s32 $0x108;
	s8 =	sld [smem:$0x3FAA]  }
0x2e: {  	s3 =	simm.s32 @!p0 $0x1082;
	s9 =	sld [smem:$0x3FAB]  }
0x2f: {  	lr =	sadd.s32 s0, s3;
	s0 =	sld [smem:$0x3FA2]  }
0x30: {  	s3 =	sld [smem:$0x3FA5]  }
0x31: {  	[smem:$0x3FAE] =	sst s10  }
0x32: {  	s10 =	sld [smem:$0x3FAC];
	_ =	sdelay $0x3  }
0x33: {  	p0 =	seq.s32 s10, $0x1;
	s10 =	sld [smem:$0x3FAE];
	_ =	sdelay $0x3  }
0x34: {  	[smem:$0x3FAE] =	sst s10  }
0x35: {  	s10 =	sld [smem:$0x3FAD];
	_ =	sdelay $0x3  }
0x36: {  	p1 =	seq.s32 s10, $0x1;
	s10 =	sld [smem:$0x3FAE];
	_ =	sdelay $0x3  }
0x37: {  	[smem:$0x3FAE] =	sst s10  }
0x38: {  	s10 =	sld [smem:$0x3FAF]  }
0x39: {  	_ = 	snop;
	(pc) =	sbr.ind lr, $3  }
0x3a: {  	_ = 	snop  }
0x3b: {  	_ = 	snop  }
0x3c: {  	p2 =	seq.s32 s10, $0x1;
	s10 =	sld [smem:$0x3FAE]  }
0x3d: {  	_ =	shalt  }
0x3e: {  	_ =	shalt  }
0x3f: {  	_ =	shalt  }
0x40: {  	_ =	shalt  }
0x41: {  	_ =	shalt  }
0x42: {  	_ =	shalt  }
0x43: {  	_ =	shalt  }
0x44: {  	_ =	shalt  }
0x45: {  	_ =	shalt  }
0x46: {  	_ =	shalt  }
0x47: {  	_ =	shalt  }
0x48: {  	_ =	shalt  }
0x49: {  	_ =	shalt  }
0x4a: {  	_ =	shalt  }
0x4b: {  	_ =	shalt  }
0x4c: {  	_ =	shalt  }
0x4d: {  	_ =	shalt  }
0x4e: {  	_ =	shalt  }
0x4f: {  	_ =	shalt  }
0x50: {  	_ =	shalt  }
0x51: {  	_ =	shalt  }
0x52: {  	_ =	shalt  }
0x53: {  	_ =	shalt  }
0x54: {  	_ =	shalt  }
0x55: {  	_ =	shalt  }
0x56: {  	_ =	shalt  }
0x57: {  	_ =	shalt  }
0x58: {  	_ =	shalt  }
0x59: {  	_ =	shalt  }
0x5a: {  	_ =	shalt  }
0x5b: {  	_ =	shalt  }
0x5c: {  	_ =	shalt  }
0x5d: {  	_ =	shalt  }
0x5e: {  	_ =	shalt  }
0x5f: {  	_ =	shalt  }
0x60: {  	_ =	shalt  }
0x61: {  	_ =	shalt  }
0x62: {  	_ =	shalt  }
0x63: {  	_ =	shalt  }
0x64: {  	_ =	shalt  }
0x65: {  	_ =	shalt  }
0x66: {  	_ =	shalt  }
0x67: {  	_ =	shalt  }
0x68: {  	_ =	shalt  }
0x69: {  	_ =	shalt  }
0x6a: {  	_ =	shalt  }
0x6b: {  	_ =	shalt  }
0x6c: {  	_ =	shalt  }
0x6d: {  	_ =	shalt  }
0x6e: {  	_ =	shalt  }
0x6f: {  	_ =	shalt  }
0x70: {  	_ =	shalt  }
0x71: {  	_ =	shalt  }
0x72: {  	_ =	shalt  }
0x73: {  	_ =	shalt  }
0x74: {  	_ =	shalt  }
0x75: {  	_ =	shalt  }
0x76: {  	_ =	shalt  }
0x77: {  	_ =	shalt  }
0x78: {  	_ =	shalt  }
0x79: {  	_ =	shalt  }
0x7a: {  	_ =	shalt  }
0x7b: {  	_ =	shalt  }
0x7c: {  	_ =	shalt  }
0x7d: {  	_ =	shalt  }
0x7e: {  	_ =	shalt  }
0x7f: {  	_ =	shalt  }
0x80: {  	_ =	shalt  }
0x81: {  	_ =	shalt  }
0x82: {  	_ =	shalt  }
0x83: {  	_ =	shalt  }
0x84: {  	_ =	shalt  }
0x85: {  	_ =	shalt  }
0x86: {  	_ =	shalt  }
0x87: {  	_ =	shalt  }
.Lfunc_end0:
.L_simem_size_0:
called_computation.2_lowered:
.L_overlay_start_0:
0x88: {  	s2 =	sld [smem:$0x3FD9]  }
0x89: {  	s3 =	sld [smem:$0x3FFE];
	_ =	sdelay $0x1  }
0x8a: {  	s1 =	srdreg.scid  }
0x8b: {  	s0 =	sand.u32 $0x1, s1  }
0x8c: {  	s14 =	sshll.u32 s0, $0xA;
	s2 =	sadd.s32 s3, s2  }
0x8d: {  	s2 =	sadd.s32 s2, s14  }
0x8e: {  	[smem:$0x3FBA] =	sst s2  }
0x8f: {  	_ = 	snop  }
0x90: {  	s2 =	sld [smem:$0x3FD0];
	_ =	sdelay $0x2  }
0x91: {  	s15 =	simm.s32 $0xA;
	s4 =	simm.s32 $0x10  }
0x92: {  	[smem:s4], [sflag:s15] =	dma.local [hbm:s2], $0x1  }
0x93: {  	_ =	swait.eq [sflag:s15], $0x1  }
0x94: {  	[sflag:s15] =	ssyncset.done $0x0  }
0x95: {  	[sflag:s15] =	ssyncadd.s32 $0xFFFFFFFF  }
0x96: {  	s16 =	sld [smem:$0x10];
	(tm) =	ssettm $0x1  }
0x97: {  	s17 =	sld [smem:$0x3FFB];
	_ =	sdelay $0x3  }
0x98: {  	_ =	strace s17  }
0x99: {  	s3 =	sld [smem:$0x3FFC];
	_ =	sdelay $0x3  }
0x9a: {  	_ =	strace s3  }
0x9b: {  	s3 =	sld [smem:$0x3FFD];
	_ =	sdelay $0x3  }
0x9c: {  	_ =	strace s3  }
0x9d: {  	_ =	strace $0x8FFFFFFF  }
0x9e: {  	s18 =	sld [smem:$0x3FDB];
	_ =	sdelay $0x1  }
0x9f: {  	s19 =	simm.s32 $_scs_section_size  }
0xa0: {  	s5 =	simm.s32 $_size__tile_overlayer_lowered;
	s6 =	simm.s32 $_tile_overlayer_lowered  }
0xa1: {  	s22 =	simm.s32 $0x1BFF;
	s21 =	sshll.u32 s6, $0x1;
	s3 =	sadd.s32 s19, s18  }
0xa2: {  	s7 =	simm.s32 $0x0;
	s20 =	sshll.u32 s5, $0x1;
	s5 =	sadd.s32 s21, s3  }
0xa3: {  	[timem:s7], [sflag:s22] =	dma.local [hbm:s5], s20  }
0xa4: {  	_ =	swait.ge [sflag:s22], s20  }
0xa5: {  	s4 =	ssub.s32 $0x0, s20;
	[sflag:s22] =	ssyncset.done $0x0  }
0xa6: {  	[sflag:s22] =	ssyncadd.s32 s4;
	_ =	sdelay $0x1  }
0xa7: {  	s23 =	simm.s32 $0x1B8B  }
0xa8: {  	_ =	swait.ge [sflag:s23], $0x1  }
0xa9: {  	[sflag:s23] =	ssyncset.done $0x0  }
0xaa: {  	s25 =	simm.s32 $0x1B8E;
	s24 =	sld [smem:$0x3FFE];
	[sflag:s23] =	ssyncadd.s32 $0xFFFFFFFF  }
0xab: {  	s26 =	simm.s32 $execute0_lowered;
	[smem:$0x3FD2] =	sst s25  }
0xac: {  	s5 =	sshll.u32 s26, $0x1;
	_ =	strace $0x8000004C;
	[dreg:$0x1] =	wrdreg $0xFFFFFFFF  }
0xad: {  	s28 =	simm.s32 $_size_execute0_lowered;
	s3 =	sadd.s32 s3, s5;
	[dreg:$0x0] =	wrdreg $0x0  }
0xae: {  	s5 =	sshll.u32 s28, $0x1;
	[dreg:$0x2] =	wrdreg s3  }
0xaf: {  	[dreg:$0x3] =	wrdreg s5  }
0xb0: {  	[dreg:$0x4] =	wrdreg $0xC0  }
0xb1: {  	_ =	task [dreg:s7], $0x5FFFF  }
0xb2: {  	[dreg:$0x1] =	wrdreg $0xFFFFFFFF  }
0xb3: {  	[dreg:$0x0] =	wrdreg $0x60  }
0xb4: {  	[dreg:$0x2] =	wrdreg s24  }
0xb5: {  	[dreg:$0x3] =	wrdreg s16  }
0xb6: {  	[dreg:$0x4] =	wrdreg $0x9  }
0xb7: {  	_ =	task.clear_ibuf [dreg:s7], $0x5FFFF;
	_ =	strace $0x9000004C  }
0xb8: {  	s29 =	simm.s32 $0x9;
	_ =	strace $0x8000004E  }
0xb9: {  	_ =	swait.ge [sflag:s29], $0x1  }
0xba: {  	[sflag:s29] =	ssyncadd.s32 $0xFFFFFFFF  }
0xbb: {  	_ =	strace $0x9000004E  }
0xbc: {  	_ =	sfence  }
0xbd: {  	s30 =	sld [smem:$0x0];
	_ =	sdelay $0x2  }
0xbe: {  	s31 =	sshll.u32 s1, $0xD;
	s1 =	sshrl.u32 s1, $0x2  }
0xbf: {  	s3 =	sand.u32 $0x4000, s31;
	s1 =	sadd.s32 s1, s30  }
0xc0: {  	s0 =	sor.u32 s3, s0;
	s1 =	sshll.u32 s1, $0x11  }
0xc1: {  	s0 =	sor.u32 s1, s0  }
0xc2: {  	s0 =	sadd.s32 $0x8F2B, s0  }
0xc3: {  	[sflag:s0] =	ssyncadd.remote.s32 $0x1  }
0xc4: {  	_ =	sfence.sel $0xFFFF  }
0xc5: {  	[dreg:$0x0] =	wrdreg $0xFFFFFFFF;
	(pc) =	sbr.abs _section_cstart, $3  }
0xc6: {  	[dreg:$0x1] =	wrdreg $0xFFFFFFFF  }
0xc7: {  	_ =	task.clear_ibuf [dreg:s7], $0x2FFFF;
	_ =	strace $0x9FFFFFFF  }
0xc8: {  	(tm) =	ssettm $0x7FFFFFFF  }
0xc9: {  	_ =	shalt  }
tec
execute0_lowered:
.L_overlay_start_1:
0x0: {  	(tag) =	ssettag $0x1  }
0x1: {  	s1 =	srdreg.scid;
	s5 =	rddreg [dreg:$0x0]  }
0x2: {  	s0 =	stileid.u32;
	s2 =	rddreg [dreg:$0x1];
	s6 =	simm.s32 $0x1  }
0x3: {  	s9 =	simm.s32 $0x1;
	s10 =	simm.s32 $0x3;
	s1 =	sshll.u32 s1, $0x6  }
0x4: {  	s13 =	simm.s32 $0x0;
	s3 =	sshll.u32 s0, $0x7;
	s4 =	sand.u32 $0x40, s1  }
0x5: {  	s12 =	simm.s32 $0x0;
	s1 =	rddreg [dreg:$0x2];
	s3 =	sor.u32 s3, s4  }
0x6: {  	_ =	strace $0x8000004D;
	s4 =	sadd.s32 $0x400, s5;
	s8 =	ssub.s32 $0x1000, s3  }
.Ltmp0:
0x7: {  	s5 =	sadd.s32 $0x200, s5;
	s7 =	sand.u32 $0x7C0, s8;
	(pc) =	sbr.rel .LBB2_1-.Ltmp0, $4  }
0x8: {  	[sflag:s6] =	ssyncpa.u1 $0x0;
	s11 =	smov.u32 s3;
	p0 =	sne.s32 s7, $0x0  }
0x9: {  	s8 =	sshrl.u32 s8, $0xB;
	s7 =	simm.s32 $0x2;
	s9 =	simm.s32 @!p0 $0x0  }
0xa: {  	[sflag:s7] =	ssyncpa.u1 $0x0;
	p0 =	por $0x0, $0x0;
	s8 =	sadd.s32 s9, s8  }
0xb: {  	vm0 =	vmmov $0xffff;
	[sflag:s10] =	ssyncpa.u1 $0x0;
	s10 =	simm.s32 $0x0;
	s9 =	sadd.s32 $0x1, s8  }
.LBB2_4:
0xc: {  	v2 =	vnsel vm1, $0x0, v2  }
0xd: {  	vm1 =	vgt.s32 v0, $0x0;
	v2 =	vmin.u32 v2, $0xFFF  }
0xe: {  	v0 =	vnsel vm1, $0x0, v0  }
0xf: {  	v0 =	vmin.u32 v0, $0xFFF  }
0x10: {  	[tilespmem:s15], [sflag:$0x1] =	stream.indirect_vreg.gather [hbm4b:s4+s10], $0x1, v1, vm0, $0x4038;
	[tilespmem:$0x100] =	vst v63  }
0x11: {  	(ifvalue) =	ssetifvalue $0x7FFFFFFF  }
0x12: {  	[tilespmem:s16], [sflag:$0x1] =	stream.indirect_vreg.gather [hbm4b:s4+s10], $0x1, v2, vm0, $0x4038;
	[tilespmem:$0x100] =	vst v63  }
0x13: {  	s29 =	sadd.s32 $0x10, s16;
	(ifvalue) =	ssetifvalue $0x7FFFFFFF  }
0x14: {  	[tilespmem:s29], [sflag:$0x1] =	stream.indirect_vreg.gather [hbm4b:s4+s10], $0x1, v0, vm0, $0x4038;
	[tilespmem:$0x100] =	vst v63  }
0x15: {  	_ =	swait.ge [sflag:s6], $0x40  }
0x16: {  	s30 =	sshrl.u32 s13, $0x3;
	[sflag:s6] =	ssyncset.done $0x0  }
0x17: {  	s31 =	sand.u32 $0x7, s13;
	s15 =	sadd.s32 s2, s30;
	[sflag:s6] =	ssyncadd.s32 $0xFFFFFFC0  }
0x18: {  	[hbm4b:s15+s31] =	stream.linear.scatter [tilespmem:s14], [sflag:$0x3], $0x40, $0x38;
	[tilespmem:$0x100] =	vst v63  }
.LBB2_5:
0x19: {  	s15 =	sadd.s32 $0x800, s11  }
0x1a: {  	p2 =	sgt.s32 s15, $0xFFF  }
0x1b: {  	s15 =	smov.u32 @p2 s3;
	p2 =	sne.s32 s12, s9  }
.Ltmp1:
0x1c: {  	p1 =	slt.u32 s12, $0x2;
	(pc) =	sbr.rel @!p2 .LBB2_6-.Ltmp1, $4  }
0x1d: {  	s14 =	simm.s32 @!p1 $0x3  }
0x1e: {  	s16 =	sadd.s32 $0x1, s12;
	_ =	swait.ge @!p1 [sflag:s14], $0x40  }
0x1f: {  	s13 =	smov.u32 s11;
	p0 =	por !p0, !p0;
	[sflag:s14] =	ssyncset.done @!p1 $0x0  }
0x20: {  	s12 =	smov.u32 s16;
	s11 =	smov.u32 s15;
	[sflag:s14] =	ssyncadd.s32 @!p1 $0xFFFFFFC0  }
.LBB2_1:
0x21: {  	p1 =	sge.u32 s12, s8  }
0x22: {  	s14 =	sxor.u32 @!p1 $0xFFFFFFFF, s12  }
0x23: {  	s31 =	sadd.s32 $0xFFFFFFFF, s12;
	s15 =	sshrl.u32 @!p1 s11, $0x3;
	s14 =	sshll.u32 @!p1 s14, $0x6  }
0x24: {  	s16 =	sand.u32 @!p1 $0x7, s11;
	s15 =	sadd.s32 @!p1 s5, s15;
	s14 =	sand.u32 @!p1 $0x40, s14  }
0x25: {  	[tilespmem:s14], [sflag:$0x2] =	stream.linear.gather @!p1 [hbm4b:s15+s16], $0x40, $0x38;
	[tilespmem:$0x100] =	vst v63  }
0x26: {  	p1 =	sge.u32 s31, s8  }
.Ltmp2:
0x27: {  	_ = 	snop;
	(pc) =	sbr.rel @p1 .LBB2_5-.Ltmp2, $1  }
0x28: {  	_ =	sdelay $0x3  }
0x29: {  	s14 =	simm.s32 $0x1  }
0x2a: {  	_ =	swait.ge [sflag:s7], $0x40;
	s14 =	simm.s32 @!p0 $0x0  }
0x2b: {  	[sflag:s7] =	ssyncset.done $0x0;
	s14 =	sshll.u32 s14, $0x6  }
0x2c: {  	[sflag:s7] =	ssyncadd.s32 $0xFFFFFFC0;
	(ifvalue) =	ssetifvalue $0x7FFFFFFF;
	v0 =	vld.msk [tilespmem:s14+$0x0 ss:$0x1], $0xffff;
	_ =	sdelay $0x4  }
0x2d: {  	s15 =	sadd.s32 $0x10, s14;
	vm1 =	vgt.s32 v0, $0x0  }
0x2e: {  	v2 =	vld.msk [tilespmem:s15+$0x0 ss:$0x1], $0xffff;
	v1 =	vnsel vm1, $0x0, v0  }
0x2f: {  	v1 =	vmin.u32 v1, $0xFFF;
	_ =	sdelay $0x1  }
0x30: {  	s16 =	sshll.u32 s12, $0x6;
	s18 =	simm.s32 $0x20  }
0x31: {  	s16 =	sand.u32 $0x40, s16;
	s17 =	sadd.s32 $0x10, s15;
	s15 =	sor.u32 $0x80, s14  }
0x32: {  	s14 =	sor.u32 $0x80, s16;
	s16 =	sadd.s32 $0x10, s15;
	v0 =	vld.msk [tilespmem:s17+$0x0 ss:$0x1], $0xffff;
	vm1 =	vgt.s32 v2, $0x0;
	(ifvalue) =	ssetifvalue $0x7FFFFFFF  }
.LBB2_3:
0x33: {  	[tilespmem:s15], [sflag:$0x1] =	stream.indirect_vreg.gather [hbm4b:s4+s10], $0x1, v1, vm0, $0x4038;
	[tilespmem:$0x100] =	vst v63  }
0x34: {  	s18 =	sadd.s32 $0x10, s18  }
0x35: {  	v2 =	vnsel vm1, $0x0, v2;
	p1 =	slt.u32 s18, $0x30  }
.Ltmp3:
0x36: {  	s15 =	smov.u32 s16;
	v1 =	vmin.u32 v2, $0xFFF;
	(pc) =	sbr.rel @p1 .LBB2_3-.Ltmp3, $3  }
0x37: {  	_ =	sdelay $0x1  }
0x38: {  	s17 =	sadd.s32 $0x10, s17  }
0x39: {  	vm1 =	vgt.s32 v0, $0x0;
	s16 =	sadd.s32 $0x10, s16;
	v2 =	vmov v0;
	(ifvalue) =	ssetifvalue $0x7FFFFFFF;
	v0 =	vld.msk [tilespmem:s17+$0x0 ss:$0x1], $0xffff  }
.Ltmp4:
0x3a: {  	_ = 	snop;
	(pc) =	sbr.rel .LBB2_4-.Ltmp4, $1  }
0x3b: {  	_ =	sdelay $0x3  }
.LBB2_6:
0x3c: {  	_ =	sfence.sel $0x180000  }
0x3d: {  	s2 =	simm.s32 $0x2;
	[bflag:$0x0] =	sbarrier.arrive $0xFFFF  }
0x3e: {  	s30 =	simm.s32 $0x3;
	[sflag:s2] =	ssyncpa.u1 $0x1  }
0x3f: {  	s31 =	simm.s32 $0x1;
	[sflag:s30] =	ssyncpa.u1 $0x1  }
0x40: {  	[sflag:s31] =	ssyncpa.u1 $0x1  }
0x41: {  	p0 =	sne.s32 s0, $0x0;
	_ =	strace $0x9000004D  }
0x42: {  	s0 =	sadd.s32 @!p0 $0x100000, s1;
	[bflag:$0x2] =	sbarrier.arrive $0xFFFF  }
0x43: {  	[sflag:s0] =	ssyncadd.tile.s32 @!p0 $0x1;
	_ =	shalt  }
.Lfunc_end2:
_tile_overlayer_lowered:
.L_overlay_start_2:
0x44: {  	(tag) =	ssettag $0x2  }
0x45: {  	s0 =	rddreg [dreg:$0x0];
	s2 =	stileid.u32  }
0x46: {  	s1 =	rddreg [dreg:$0x1];
	p0 =	sne.s32 s2, $0x0  }
0x47: {  	s3 =	rddreg [dreg:$0x2];
	[bflag:$0x3] =	sbarrier.arrive $0xFFFF;
	s2 =	simm.s32 @!p0 $0x1C01  }
0x48: {  	[timem:s3], [sflag:s2] =	dma.local @!p0 [hbm:s0], s1  }
0x49: {  	s0 =	simm.s32 @!p0 $0x1  }
0x4a: {  	_ =	swait.ge @!p0 [sflag:s0], s1  }
0x4b: {  	s1 =	ssub.s32 @!p0 $0x0, s1;
	[sflag:s0] =	ssyncset.done @!p0 $0x0  }
0x4c: {  	[sflag:s0] =	ssyncadd.s32 @!p0 s1  }
0x4d: {  	[bflag:$0x3] =	sbarrier.arrive $0xFFFF  }
0x4e: {  	_ =	shalt  }

// kernel: gather_offload_async_start
scs
__scs_entry_jumppad:
0x0: {  	(pc) =	sbr.rel $0x88, $3  }
0x1: {  	(tag) =	ssettag $0x0;
	lr =	simm.s32 $0x1  }
0x2: {  	[smem:$0x3F93] =	sst lr;
	_ =	strace $0xD0000000  }
0x3: {  	_ = 	snop  }
0x4: {  	_ = 	snop  }
0x5: {  	_ = 	snop  }
0x6: {  	_ = 	snop  }
0x7: {  	_ = 	snop  }
__scs_overlays_trampoline_lowered:
0x8: {  	[smem:$0x3FA2] =	sst s0  }
0x9: {  	[smem:$0x3FA3] =	sst s1  }
0xa: {  	[smem:$0x3FA4] =	sst s2  }
0xb: {  	[smem:$0x3FA5] =	sst s3  }
0xc: {  	[smem:$0x3FA6] =	sst s4  }
0xd: {  	[smem:$0x3FA7] =	sst s5  }
0xe: {  	[smem:$0x3FA8] =	sst s6  }
0xf: {  	[smem:$0x3FA9] =	sst s7  }
0x10: {  	[smem:$0x3FAA] =	sst s8  }
0x11: {  	[smem:$0x3FAB] =	sst s9;
	s0 =	simm.s32 @!p0 $0x0  }
0x12: {  	s1 =	sld [smem:$0x3F91];
	s0 =	simm.s32 @p0 $0x1  }
0x13: {  	[smem:$0x3FAC] =	sst s0;
	s0 =	simm.s32 @!p1 $0x0  }
0x14: {  	s2 =	sld [smem:$0x3F90];
	s0 =	simm.s32 @p1 $0x1  }
0x15: {  	[smem:$0x3FAD] =	sst s0;
	s0 =	simm.s32 @!p2 $0x0  }
0x16: {  	s3 =	sld [smem:$0x3FDB];
	s0 =	simm.s32 @p2 $0x1  }
0x17: {  	s4 =	simm.s32 $0x1BF5;
	[smem:$0x3FAF] =	sst s0  }
0x18: {  	s0 =	sld [smem:$0x3F92];
	_ =	swait.ge [sflag:s4], $0x0  }
0x19: {  	s7 =	sld [smem:$0x3F93]  }
0x1a: {  	s8 =	sadd.s32 $0xFFFFE003, lr  }
0x1b: {  	s9 =	sadd.s32 $0xFFFFFEF7, lr;
	s5 =	simm.s32 $0xFFFFFFFF;
	p2 =	slt.u32 s8, $0xFFFFF086  }
0x1c: {  	p1 =	slt.u32 s9, $0xF7A;
	s5 =	simm.s32 @!p2 $0x0  }
0x1d: {  	s5 =	simm.s32 @p1 $0x1;
	p0 =	seq.s32 s7, s2  }
0x1e: {  	s7 =	smul.u32 @!p0 $0xF7A, s2;
	p2 =	seq.s32 @!p0 s5, $0x0  }
0x1f: {  	s9 =	smul.u32 $0xF7A, s1;
	s8 =	simm.s32 @!p0 $0x1BF5;
	p2 =	por !p2, p0  }
0x20: {  	[sflag:s8] =	ssyncset.s32 @!p0 $0xFFFFF086;
	s6 =	sadd.s32 @!p0 s3, s7;
	s7 =	simm.s32 @!p0 $0x108  }
0x21: {  	s3 =	sadd.s32 s3, s9;
	s6 =	sadd.s32 @!p0 $0x88, s6;
	s7 =	simm.s32 @p2 $0x1082  }
0x22: {  	[simem:s7], [sflag:s8] =	dma.local @!p0 [hbm:s6], $0xF7A  }
0x23: {  	s9 =	sor.u32 $0xD0000000, s2;
	s6 =	simm.s32 $0x108;
	_ =	swait.ge @!p0 [sflag:s8], $0x0  }
0x24: {  	s3 =	sadd.s32 $0x88, s3;
	s6 =	simm.s32 @!p1 $0x1082;
	[sflag:s4] =	ssyncset.s32 $0xFFFFF086  }
0x25: {  	[simem:s6], [sflag:s4] =	dma.local [hbm:s3], $0xF7A  }
0x26: {  	[smem:$0x3F93] =	sst s1;
	(tag) =	ssettag s2;
	_ =	strace s9  }
0x27: {  	s1 =	sld [smem:$0x3FA3]  }
0x28: {  	s2 =	sld [smem:$0x3FA4]  }
0x29: {  	s4 =	sld [smem:$0x3FA6]  }
0x2a: {  	p0 =	seq.s32 s5, $0x0;
	s5 =	sld [smem:$0x3FA7]  }
0x2b: {  	s6 =	sld [smem:$0x3FA8]  }
0x2c: {  	s7 =	sld [smem:$0x3FA9]  }
0x2d: {  	s3 =	simm.s32 $0x108;
	s8 =	sld [smem:$0x3FAA]  }
0x2e: {  	s3 =	simm.s32 @!p0 $0x1082;
	s9 =	sld [smem:$0x3FAB]  }
0x2f: {  	lr =	sadd.s32 s0, s3;
	s0 =	sld [smem:$0x3FA2]  }
0x30: {  	s3 =	sld [smem:$0x3FA5]  }
0x31: {  	[smem:$0x3FAE] =	sst s10  }
0x32: {  	s10 =	sld [smem:$0x3FAC];
	_ =	sdelay $0x3  }
0x33: {  	p0 =	seq.s32 s10, $0x1;
	s10 =	sld [smem:$0x3FAE];
	_ =	sdelay $0x3  }
0x34: {  	[smem:$0x3FAE] =	sst s10  }
0x35: {  	s10 =	sld [smem:$0x3FAD];
	_ =	sdelay $0x3  }
0x36: {  	p1 =	seq.s32 s10, $0x1;
	s10 =	sld [smem:$0x3FAE];
	_ =	sdelay $0x3  }
0x37: {  	[smem:$0x3FAE] =	sst s10  }
0x38: {  	s10 =	sld [smem:$0x3FAF]  }
0x39: {  	_ = 	snop;
	(pc) =	sbr.ind lr, $3  }
0x3a: {  	_ = 	snop  }
0x3b: {  	_ = 	snop  }
0x3c: {  	p2 =	seq.s32 s10, $0x1;
	s10 =	sld [smem:$0x3FAE]  }
0x3d: {  	_ =	shalt  }
0x3e: {  	_ =	shalt  }
0x3f: {  	_ =	shalt  }
0x40: {  	_ =	shalt  }
0x41: {  	_ =	shalt  }
0x42: {  	_ =	shalt  }
0x43: {  	_ =	shalt  }
0x44: {  	_ =	shalt  }
0x45: {  	_ =	shalt  }
0x46: {  	_ =	shalt  }
0x47: {  	_ =	shalt  }
0x48: {  	_ =	shalt  }
0x49: {  	_ =	shalt  }
0x4a: {  	_ =	shalt  }
0x4b: {  	_ =	shalt  }
0x4c: {  	_ =	shalt  }
0x4d: {  	_ =	shalt  }
0x4e: {  	_ =	shalt  }
0x4f: {  	_ =	shalt  }
0x50: {  	_ =	shalt  }
0x51: {  	_ =	shalt  }
0x52: {  	_ =	shalt  }
0x53: {  	_ =	shalt  }
0x54: {  	_ =	shalt  }
0x55: {  	_ =	shalt  }
0x56: {  	_ =	shalt  }
0x57: {  	_ =	shalt  }
0x58: {  	_ =	shalt  }
0x59: {  	_ =	shalt  }
0x5a: {  	_ =	shalt  }
0x5b: {  	_ =	shalt  }
0x5c: {  	_ =	shalt  }
0x5d: {  	_ =	shalt  }
0x5e: {  	_ =	shalt  }
0x5f: {  	_ =	shalt  }
0x60: {  	_ =	shalt  }
0x61: {  	_ =	shalt  }
0x62: {  	_ =	shalt  }
0x63: {  	_ =	shalt  }
0x64: {  	_ =	shalt  }
0x65: {  	_ =	shalt  }
0x66: {  	_ =	shalt  }
0x67: {  	_ =	shalt  }
0x68: {  	_ =	shalt  }
0x69: {  	_ =	shalt  }
0x6a: {  	_ =	shalt  }
0x6b: {  	_ =	shalt  }
0x6c: {  	_ =	shalt  }
0x6d: {  	_ =	shalt  }
0x6e: {  	_ =	shalt  }
0x6f: {  	_ =	shalt  }
0x70: {  	_ =	shalt  }
0x71: {  	_ =	shalt  }
0x72: {  	_ =	shalt  }
0x73: {  	_ =	shalt  }
0x74: {  	_ =	shalt  }
0x75: {  	_ =	shalt  }
0x76: {  	_ =	shalt  }
0x77: {  	_ =	shalt  }
0x78: {  	_ =	shalt  }
0x79: {  	_ =	shalt  }
0x7a: {  	_ =	shalt  }
0x7b: {  	_ =	shalt  }
0x7c: {  	_ =	shalt  }
0x7d: {  	_ =	shalt  }
0x7e: {  	_ =	shalt  }
0x7f: {  	_ =	shalt  }
0x80: {  	_ =	shalt  }
0x81: {  	_ =	shalt  }
0x82: {  	_ =	shalt  }
0x83: {  	_ =	shalt  }
0x84: {  	_ =	shalt  }
0x85: {  	_ =	shalt  }
0x86: {  	_ =	shalt  }
0x87: {  	_ =	shalt  }
.Lfunc_end0:
.L_simem_size_0:
called_computation.1_lowered:
.L_overlay_start_0:
0x88: {  	s2 =	sld [smem:$0x3FD9]  }
0x89: {  	s3 =	sld [smem:$0x3FFE];
	_ =	sdelay $0x1  }
0x8a: {  	s1 =	srdreg.scid  }
0x8b: {  	s0 =	sand.u32 $0x1, s1  }
0x8c: {  	s14 =	sshll.u32 s0, $0xA;
	s2 =	sadd.s32 s3, s2  }
0x8d: {  	s2 =	sadd.s32 s2, s14  }
0x8e: {  	[smem:$0x3FBA] =	sst s2  }
0x8f: {  	_ = 	snop  }
0x90: {  	s2 =	sld [smem:$0x3FD0];
	_ =	sdelay $0x2  }
0x91: {  	s15 =	simm.s32 $0xA;
	s4 =	simm.s32 $0x10  }
0x92: {  	[smem:s4], [sflag:s15] =	dma.local [hbm:s2], $0x1  }
0x93: {  	_ =	swait.eq [sflag:s15], $0x1  }
0x94: {  	[sflag:s15] =	ssyncset.done $0x0  }
0x95: {  	[sflag:s15] =	ssyncadd.s32 $0xFFFFFFFF  }
0x96: {  	s16 =	sld [smem:$0x10];
	(tm) =	ssettm $0x1  }
0x97: {  	s17 =	sld [smem:$0x3FFB];
	_ =	sdelay $0x3  }
0x98: {  	_ =	strace s17  }
0x99: {  	s3 =	sld [smem:$0x3FFC];
	_ =	sdelay $0x3  }
0x9a: {  	_ =	strace s3  }
0x9b: {  	s3 =	sld [smem:$0x3FFD];
	_ =	sdelay $0x3  }
0x9c: {  	_ =	strace s3  }
0x9d: {  	_ =	strace $0x8FFFFFFF  }
0x9e: {  	s18 =	sld [smem:$0x3FDB];
	_ =	sdelay $0x1  }
0x9f: {  	s19 =	simm.s32 $_scs_section_size  }
0xa0: {  	s5 =	simm.s32 $_size__tile_overlayer_lowered;
	s6 =	simm.s32 $_tile_overlayer_lowered  }
0xa1: {  	s22 =	simm.s32 $0x1BFF;
	s21 =	sshll.u32 s6, $0x1;
	s3 =	sadd.s32 s19, s18  }
0xa2: {  	s7 =	simm.s32 $0x0;
	s20 =	sshll.u32 s5, $0x1;
	s5 =	sadd.s32 s21, s3  }
0xa3: {  	[timem:s7], [sflag:s22] =	dma.local [hbm:s5], s20  }
0xa4: {  	_ =	swait.ge [sflag:s22], s20  }
0xa5: {  	s4 =	ssub.s32 $0x0, s20;
	[sflag:s22] =	ssyncset.done $0x0  }
0xa6: {  	[sflag:s22] =	ssyncadd.s32 s4;
	_ =	sdelay $0x1  }
0xa7: {  	s23 =	simm.s32 $0x1B8B  }
0xa8: {  	_ =	swait.ge [sflag:s23], $0x1  }
0xa9: {  	[sflag:s23] =	ssyncset.done $0x0  }
0xaa: {  	s25 =	simm.s32 $0x1B8E;
	s24 =	sld [smem:$0x3FFE];
	[sflag:s23] =	ssyncadd.s32 $0xFFFFFFFF  }
0xab: {  	s26 =	simm.s32 $execute0_lowered;
	[smem:$0x3FD2] =	sst s25  }
0xac: {  	s5 =	sshll.u32 s26, $0x1;
	_ =	strace $0x80000049;
	[dreg:$0x1] =	wrdreg $0xFFFFFFFF  }
0xad: {  	s28 =	simm.s32 $_size_execute0_lowered;
	s3 =	sadd.s32 s3, s5;
	[dreg:$0x0] =	wrdreg $0x0  }
0xae: {  	s5 =	sshll.u32 s28, $0x1;
	[dreg:$0x2] =	wrdreg s3  }
0xaf: {  	[dreg:$0x3] =	wrdreg s5  }
0xb0: {  	[dreg:$0x4] =	wrdreg $0xC0  }
0xb1: {  	_ =	task [dreg:s7], $0x5FFFF  }
0xb2: {  	[dreg:$0x1] =	wrdreg $0xFFFFFFFF  }
0xb3: {  	[dreg:$0x0] =	wrdreg $0x60  }
0xb4: {  	[dreg:$0x2] =	wrdreg s16  }
0xb5: {  	[dreg:$0x3] =	wrdreg s24  }
0xb6: {  	[dreg:$0x4] =	wrdreg $0x9  }
0xb7: {  	_ =	task.clear_ibuf [dreg:s7], $0x5FFFF;
	_ =	strace $0x90000049  }
0xb8: {  	s29 =	simm.s32 $0x9;
	_ =	strace $0x8000004B  }
0xb9: {  	_ =	swait.ge [sflag:s29], $0x1  }
0xba: {  	[sflag:s29] =	ssyncadd.s32 $0xFFFFFFFF  }
0xbb: {  	_ =	strace $0x9000004B  }
0xbc: {  	_ =	sfence  }
0xbd: {  	s30 =	sld [smem:$0x0];
	_ =	sdelay $0x2  }
0xbe: {  	s31 =	sshll.u32 s1, $0xD;
	s1 =	sshrl.u32 s1, $0x2  }
0xbf: {  	s3 =	sand.u32 $0x4000, s31;
	s1 =	sadd.s32 s1, s30  }
0xc0: {  	s0 =	sor.u32 s3, s0;
	s1 =	sshll.u32 s1, $0x11  }
0xc1: {  	s0 =	sor.u32 s1, s0  }
0xc2: {  	s0 =	sadd.s32 $0x8F2B, s0  }
0xc3: {  	[sflag:s0] =	ssyncadd.remote.s32 $0x1  }
0xc4: {  	_ =	sfence.sel $0xFFFF  }
0xc5: {  	[dreg:$0x0] =	wrdreg $0xFFFFFFFF;
	(pc) =	sbr.abs _section_cstart, $3  }
0xc6: {  	[dreg:$0x1] =	wrdreg $0xFFFFFFFF  }
0xc7: {  	_ =	task.clear_ibuf [dreg:s7], $0x2FFFF;
	_ =	strace $0x9FFFFFFF  }
0xc8: {  	(tm) =	ssettm $0x7FFFFFFF  }
0xc9: {  	_ =	shalt  }
tec
execute0_lowered:
.L_overlay_start_1:
0x0: {  	(tag) =	ssettag $0x1  }
0x1: {  	s1 =	srdreg.scid;
	s2 =	rddreg [dreg:$0x0]  }
0x2: {  	s0 =	stileid.u32;
	s5 =	rddreg [dreg:$0x1];
	s6 =	simm.s32 $0x1  }
0x3: {  	s9 =	simm.s32 $0x1;
	s10 =	simm.s32 $0x3;
	s1 =	sshll.u32 s1, $0x6  }
0x4: {  	s13 =	simm.s32 $0x0;
	s3 =	sshll.u32 s0, $0x7;
	s4 =	sand.u32 $0x40, s1  }
0x5: {  	s12 =	simm.s32 $0x0;
	s1 =	rddreg [dreg:$0x2];
	s3 =	sor.u32 s3, s4  }
0x6: {  	_ =	strace $0x8000004A;
	s4 =	sadd.s32 $0x200, s5;
	s8 =	ssub.s32 $0x1000, s3  }
.Ltmp0:
0x7: {  	s5 =	sadd.s32 $0x1400, s5;
	s7 =	sand.u32 $0x7C0, s8;
	(pc) =	sbr.rel .LBB2_1-.Ltmp0, $4  }
0x8: {  	[sflag:s6] =	ssyncpa.u1 $0x0;
	s11 =	smov.u32 s3;
	p0 =	sne.s32 s7, $0x0  }
0x9: {  	s8 =	sshrl.u32 s8, $0xB;
	s7 =	simm.s32 $0x2;
	s9 =	simm.s32 @!p0 $0x0  }
0xa: {  	[sflag:s7] =	ssyncpa.u1 $0x0;
	p0 =	por $0x0, $0x0;
	s8 =	sadd.s32 s9, s8  }
0xb: {  	vm0 =	vmmov $0xffff;
	[sflag:s10] =	ssyncpa.u1 $0x0;
	s10 =	simm.s32 $0x0;
	s9 =	sadd.s32 $0x1, s8  }
.LBB2_4:
0xc: {  	v2 =	vnsel vm1, $0x0, v2  }
0xd: {  	vm1 =	vgt.s32 v0, $0x0;
	v2 =	vmin.u32 v2, $0xFFF  }
0xe: {  	v0 =	vnsel vm1, $0x0, v0  }
0xf: {  	v0 =	vmin.u32 v0, $0xFFF  }
0x10: {  	[tilespmem:s15], [sflag:$0x1] =	stream.indirect_vreg.gather [hbm4b:s2+s10], $0x1, v1, vm0, $0x4038;
	[tilespmem:$0x100] =	vst v63  }
0x11: {  	(ifvalue) =	ssetifvalue $0x7FFFFFFF  }
0x12: {  	[tilespmem:s16], [sflag:$0x1] =	stream.indirect_vreg.gather [hbm4b:s2+s10], $0x1, v2, vm0, $0x4038;
	[tilespmem:$0x100] =	vst v63  }
0x13: {  	s29 =	sadd.s32 $0x10, s16;
	(ifvalue) =	ssetifvalue $0x7FFFFFFF  }
0x14: {  	[tilespmem:s29], [sflag:$0x1] =	stream.indirect_vreg.gather [hbm4b:s2+s10], $0x1, v0, vm0, $0x4038;
	[tilespmem:$0x100] =	vst v63  }
0x15: {  	_ =	swait.ge [sflag:s6], $0x40  }
0x16: {  	s30 =	sshrl.u32 s13, $0x3;
	[sflag:s6] =	ssyncset.done $0x0  }
0x17: {  	s31 =	sand.u32 $0x7, s13;
	s15 =	sadd.s32 s5, s30;
	[sflag:s6] =	ssyncadd.s32 $0xFFFFFFC0  }
0x18: {  	[hbm4b:s15+s31] =	stream.linear.scatter [tilespmem:s14], [sflag:$0x3], $0x40, $0x38;
	[tilespmem:$0x100] =	vst v63  }
.LBB2_5:
0x19: {  	s15 =	sadd.s32 $0x800, s11  }
0x1a: {  	p2 =	sgt.s32 s15, $0xFFF  }
0x1b: {  	s15 =	smov.u32 @p2 s3;
	p2 =	sne.s32 s12, s9  }
.Ltmp1:
0x1c: {  	p1 =	slt.u32 s12, $0x2;
	(pc) =	sbr.rel @!p2 .LBB2_6-.Ltmp1, $4  }
0x1d: {  	s14 =	simm.s32 @!p1 $0x3  }
0x1e: {  	s16 =	sadd.s32 $0x1, s12;
	_ =	swait.ge @!p1 [sflag:s14], $0x40  }
0x1f: {  	s13 =	smov.u32 s11;
	p0 =	por !p0, !p0;
	[sflag:s14] =	ssyncset.done @!p1 $0x0  }
0x20: {  	s12 =	smov.u32 s16;
	s11 =	smov.u32 s15;
	[sflag:s14] =	ssyncadd.s32 @!p1 $0xFFFFFFC0  }
.LBB2_1:
0x21: {  	p1 =	sge.u32 s12, s8  }
0x22: {  	s14 =	sxor.u32 @!p1 $0xFFFFFFFF, s12  }
0x23: {  	s31 =	sadd.s32 $0xFFFFFFFF, s12;
	s15 =	sshrl.u32 @!p1 s11, $0x3;
	s14 =	sshll.u32 @!p1 s14, $0x6  }
0x24: {  	s16 =	sand.u32 @!p1 $0x7, s11;
	s15 =	sadd.s32 @!p1 s4, s15;
	s14 =	sand.u32 @!p1 $0x40, s14  }
0x25: {  	[tilespmem:s14], [sflag:$0x2] =	stream.linear.gather @!p1 [hbm4b:s15+s16], $0x40, $0x38;
	[tilespmem:$0x100] =	vst v63  }
0x26: {  	p1 =	sge.u32 s31, s8  }
.Ltmp2:
0x27: {  	_ = 	snop;
	(pc) =	sbr.rel @p1 .LBB2_5-.Ltmp2, $1  }
0x28: {  	_ =	sdelay $0x3  }
0x29: {  	s14 =	simm.s32 $0x1  }
0x2a: {  	_ =	swait.ge [sflag:s7], $0x40;
	s14 =	simm.s32 @!p0 $0x0  }
0x2b: {  	[sflag:s7] =	ssyncset.done $0x0;
	s14 =	sshll.u32 s14, $0x6  }
0x2c: {  	[sflag:s7] =	ssyncadd.s32 $0xFFFFFFC0;
	(ifvalue) =	ssetifvalue $0x7FFFFFFF;
	v0 =	vld.msk [tilespmem:s14+$0x0 ss:$0x1], $0xffff;
	_ =	sdelay $0x4  }
0x2d: {  	s15 =	sadd.s32 $0x10, s14;
	vm1 =	vgt.s32 v0, $0x0  }
0x2e: {  	v2 =	vld.msk [tilespmem:s15+$0x0 ss:$0x1], $0xffff;
	v1 =	vnsel vm1, $0x0, v0  }
0x2f: {  	v1 =	vmin.u32 v1, $0xFFF;
	_ =	sdelay $0x1  }
0x30: {  	s16 =	sshll.u32 s12, $0x6;
	s18 =	simm.s32 $0x20  }
0x31: {  	s16 =	sand.u32 $0x40, s16;
	s17 =	sadd.s32 $0x10, s15;
	s15 =	sor.u32 $0x80, s14  }
0x32: {  	s14 =	sor.u32 $0x80, s16;
	s16 =	sadd.s32 $0x10, s15;
	v0 =	vld.msk [tilespmem:s17+$0x0 ss:$0x1], $0xffff;
	vm1 =	vgt.s32 v2, $0x0;
	(ifvalue) =	ssetifvalue $0x7FFFFFFF  }
.LBB2_3:
0x33: {  	[tilespmem:s15], [sflag:$0x1] =	stream.indirect_vreg.gather [hbm4b:s2+s10], $0x1, v1, vm0, $0x4038;
	[tilespmem:$0x100] =	vst v63  }
0x34: {  	s18 =	sadd.s32 $0x10, s18  }
0x35: {  	v2 =	vnsel vm1, $0x0, v2;
	p1 =	slt.u32 s18, $0x30  }
.Ltmp3:
0x36: {  	s15 =	smov.u32 s16;
	v1 =	vmin.u32 v2, $0xFFF;
	(pc) =	sbr.rel @p1 .LBB2_3-.Ltmp3, $3  }
0x37: {  	_ =	sdelay $0x1  }
0x38: {  	s17 =	sadd.s32 $0x10, s17  }
0x39: {  	vm1 =	vgt.s32 v0, $0x0;
	s16 =	sadd.s32 $0x10, s16;
	v2 =	vmov v0;
	(ifvalue) =	ssetifvalue $0x7FFFFFFF;
	v0 =	vld.msk [tilespmem:s17+$0x0 ss:$0x1], $0xffff  }
.Ltmp4:
0x3a: {  	_ = 	snop;
	(pc) =	sbr.rel .LBB2_4-.Ltmp4, $1  }
0x3b: {  	_ =	sdelay $0x3  }
.LBB2_6:
0x3c: {  	_ =	sfence.sel $0x180000  }
0x3d: {  	s2 =	simm.s32 $0x2;
	[bflag:$0x0] =	sbarrier.arrive $0xFFFF  }
0x3e: {  	s30 =	simm.s32 $0x3;
	[sflag:s2] =	ssyncpa.u1 $0x1  }
0x3f: {  	s31 =	simm.s32 $0x1;
	[sflag:s30] =	ssyncpa.u1 $0x1  }
0x40: {  	[sflag:s31] =	ssyncpa.u1 $0x1  }
0x41: {  	p0 =	sne.s32 s0, $0x0;
	_ =	strace $0x9000004A  }
0x42: {  	s0 =	sadd.s32 @!p0 $0x100000, s1;
	[bflag:$0x2] =	sbarrier.arrive $0xFFFF  }
0x43: {  	[sflag:s0] =	ssyncadd.tile.s32 @!p0 $0x1;
	_ =	shalt  }
.Lfunc_end2:
_tile_overlayer_lowered:
.L_overlay_start_2:
0x44: {  	(tag) =	ssettag $0x2  }
0x45: {  	s0 =	rddreg [dreg:$0x0];
	s2 =	stileid.u32  }
0x46: {  	s1 =	rddreg [dreg:$0x1];
	p0 =	sne.s32 s2, $0x0  }
0x47: {  	s3 =	rddreg [dreg:$0x2];
	[bflag:$0x3] =	sbarrier.arrive $0xFFFF;
	s2 =	simm.s32 @!p0 $0x1C01  }
0x48: {  	[timem:s3], [sflag:s2] =	dma.local @!p0 [hbm:s0], s1  }
0x49: {  	s0 =	simm.s32 @!p0 $0x1  }
0x4a: {  	_ =	swait.ge @!p0 [sflag:s0], s1  }
0x4b: {  	s1 =	ssub.s32 @!p0 $0x0, s1;
	[sflag:s0] =	ssyncset.done @!p0 $0x0  }
0x4c: {  	[sflag:s0] =	ssyncadd.s32 @!p0 s1  }
0x4d: {  	[bflag:$0x3] =	sbarrier.arrive $0xFFFF  }
0x4e: {  	_ =	shalt  }

// kernel: scatter_offload_async_start
scs
__scs_entry_jumppad:
0x0: {  	(pc) =	sbr.rel $0x88, $3  }
0x1: {  	(tag) =	ssettag $0x0;
	lr =	simm.s32 $0x1  }
0x2: {  	[smem:$0x3F93] =	sst lr;
	_ =	strace $0xD0000000  }
0x3: {  	_ = 	snop  }
0x4: {  	_ = 	snop  }
0x5: {  	_ = 	snop  }
0x6: {  	_ = 	snop  }
0x7: {  	_ = 	snop  }
__scs_overlays_trampoline_lowered:
0x8: {  	[smem:$0x3FA2] =	sst s0  }
0x9: {  	[smem:$0x3FA3] =	sst s1  }
0xa: {  	[smem:$0x3FA4] =	sst s2  }
0xb: {  	[smem:$0x3FA5] =	sst s3  }
0xc: {  	[smem:$0x3FA6] =	sst s4  }
0xd: {  	[smem:$0x3FA7] =	sst s5  }
0xe: {  	[smem:$0x3FA8] =	sst s6  }
0xf: {  	[smem:$0x3FA9] =	sst s7  }
0x10: {  	[smem:$0x3FAA] =	sst s8  }
0x11: {  	[smem:$0x3FAB] =	sst s9;
	s0 =	simm.s32 @!p0 $0x0  }
0x12: {  	s1 =	sld [smem:$0x3F91];
	s0 =	simm.s32 @p0 $0x1  }
0x13: {  	[smem:$0x3FAC] =	sst s0;
	s0 =	simm.s32 @!p1 $0x0  }
0x14: {  	s2 =	sld [smem:$0x3F90];
	s0 =	simm.s32 @p1 $0x1  }
0x15: {  	[smem:$0x3FAD] =	sst s0;
	s0 =	simm.s32 @!p2 $0x0  }
0x16: {  	s3 =	sld [smem:$0x3FDB];
	s0 =	simm.s32 @p2 $0x1  }
0x17: {  	s4 =	simm.s32 $0x1BF5;
	[smem:$0x3FAF] =	sst s0  }
0x18: {  	s0 =	sld [smem:$0x3F92];
	_ =	swait.ge [sflag:s4], $0x0  }
0x19: {  	s7 =	sld [smem:$0x3F93]  }
0x1a: {  	s8 =	sadd.s32 $0xFFFFE003, lr  }
0x1b: {  	s9 =	sadd.s32 $0xFFFFFEF7, lr;
	s5 =	simm.s32 $0xFFFFFFFF;
	p2 =	slt.u32 s8, $0xFFFFF086  }
0x1c: {  	p1 =	slt.u32 s9, $0xF7A;
	s5 =	simm.s32 @!p2 $0x0  }
0x1d: {  	s5 =	simm.s32 @p1 $0x1;
	p0 =	seq.s32 s7, s2  }
0x1e: {  	s7 =	smul.u32 @!p0 $0xF7A, s2;
	p2 =	seq.s32 @!p0 s5, $0x0  }
0x1f: {  	s9 =	smul.u32 $0xF7A, s1;
	s8 =	simm.s32 @!p0 $0x1BF5;
	p2 =	por !p2, p0  }
0x20: {  	[sflag:s8] =	ssyncset.s32 @!p0 $0xFFFFF086;
	s6 =	sadd.s32 @!p0 s3, s7;
	s7 =	simm.s32 @!p0 $0x108  }
0x21: {  	s3 =	sadd.s32 s3, s9;
	s6 =	sadd.s32 @!p0 $0x88, s6;
	s7 =	simm.s32 @p2 $0x1082  }
0x22: {  	[simem:s7], [sflag:s8] =	dma.local @!p0 [hbm:s6], $0xF7A  }
0x23: {  	s9 =	sor.u32 $0xD0000000, s2;
	s6 =	simm.s32 $0x108;
	_ =	swait.ge @!p0 [sflag:s8], $0x0  }
0x24: {  	s3 =	sadd.s32 $0x88, s3;
	s6 =	simm.s32 @!p1 $0x1082;
	[sflag:s4] =	ssyncset.s32 $0xFFFFF086  }
0x25: {  	[simem:s6], [sflag:s4] =	dma.local [hbm:s3], $0xF7A  }
0x26: {  	[smem:$0x3F93] =	sst s1;
	(tag) =	ssettag s2;
	_ =	strace s9  }
0x27: {  	s1 =	sld [smem:$0x3FA3]  }
0x28: {  	s2 =	sld [smem:$0x3FA4]  }
0x29: {  	s4 =	sld [smem:$0x3FA6]  }
0x2a: {  	p0 =	seq.s32 s5, $0x0;
	s5 =	sld [smem:$0x3FA7]  }
0x2b: {  	s6 =	sld [smem:$0x3FA8]  }
0x2c: {  	s7 =	sld [smem:$0x3FA9]  }
0x2d: {  	s3 =	simm.s32 $0x108;
	s8 =	sld [smem:$0x3FAA]  }
0x2e: {  	s3 =	simm.s32 @!p0 $0x1082;
	s9 =	sld [smem:$0x3FAB]  }
0x2f: {  	lr =	sadd.s32 s0, s3;
	s0 =	sld [smem:$0x3FA2]  }
0x30: {  	s3 =	sld [smem:$0x3FA5]  }
0x31: {  	[smem:$0x3FAE] =	sst s10  }
0x32: {  	s10 =	sld [smem:$0x3FAC];
	_ =	sdelay $0x3  }
0x33: {  	p0 =	seq.s32 s10, $0x1;
	s10 =	sld [smem:$0x3FAE];
	_ =	sdelay $0x3  }
0x34: {  	[smem:$0x3FAE] =	sst s10  }
0x35: {  	s10 =	sld [smem:$0x3FAD];
	_ =	sdelay $0x3  }
0x36: {  	p1 =	seq.s32 s10, $0x1;
	s10 =	sld [smem:$0x3FAE];
	_ =	sdelay $0x3  }
0x37: {  	[smem:$0x3FAE] =	sst s10  }
0x38: {  	s10 =	sld [smem:$0x3FAF]  }
0x39: {  	_ = 	snop;
	(pc) =	sbr.ind lr, $3  }
0x3a: {  	_ = 	snop  }
0x3b: {  	_ = 	snop  }
0x3c: {  	p2 =	seq.s32 s10, $0x1;
	s10 =	sld [smem:$0x3FAE]  }
0x3d: {  	_ =	shalt  }
0x3e: {  	_ =	shalt  }
0x3f: {  	_ =	shalt  }
0x40: {  	_ =	shalt  }
0x41: {  	_ =	shalt  }
0x42: {  	_ =	shalt  }
0x43: {  	_ =	shalt  }
0x44: {  	_ =	shalt  }
0x45: {  	_ =	shalt  }
0x46: {  	_ =	shalt  }
0x47: {  	_ =	shalt  }
0x48: {  	_ =	shalt  }
0x49: {  	_ =	shalt  }
0x4a: {  	_ =	shalt  }
0x4b: {  	_ =	shalt  }
0x4c: {  	_ =	shalt  }
0x4d: {  	_ =	shalt  }
0x4e: {  	_ =	shalt  }
0x4f: {  	_ =	shalt  }
0x50: {  	_ =	shalt  }
0x51: {  	_ =	shalt  }
0x52: {  	_ =	shalt  }
0x53: {  	_ =	shalt  }
0x54: {  	_ =	shalt  }
0x55: {  	_ =	shalt  }
0x56: {  	_ =	shalt  }
0x57: {  	_ =	shalt  }
0x58: {  	_ =	shalt  }
0x59: {  	_ =	shalt  }
0x5a: {  	_ =	shalt  }
0x5b: {  	_ =	shalt  }
0x5c: {  	_ =	shalt  }
0x5d: {  	_ =	shalt  }
0x5e: {  	_ =	shalt  }
0x5f: {  	_ =	shalt  }
0x60: {  	_ =	shalt  }
0x61: {  	_ =	shalt  }
0x62: {  	_ =	shalt  }
0x63: {  	_ =	shalt  }
0x64: {  	_ =	shalt  }
0x65: {  	_ =	shalt  }
0x66: {  	_ =	shalt  }
0x67: {  	_ =	shalt  }
0x68: {  	_ =	shalt  }
0x69: {  	_ =	shalt  }
0x6a: {  	_ =	shalt  }
0x6b: {  	_ =	shalt  }
0x6c: {  	_ =	shalt  }
0x6d: {  	_ =	shalt  }
0x6e: {  	_ =	shalt  }
0x6f: {  	_ =	shalt  }
0x70: {  	_ =	shalt  }
0x71: {  	_ =	shalt  }
0x72: {  	_ =	shalt  }
0x73: {  	_ =	shalt  }
0x74: {  	_ =	shalt  }
0x75: {  	_ =	shalt  }
0x76: {  	_ =	shalt  }
0x77: {  	_ =	shalt  }
0x78: {  	_ =	shalt  }
0x79: {  	_ =	shalt  }
0x7a: {  	_ =	shalt  }
0x7b: {  	_ =	shalt  }
0x7c: {  	_ =	shalt  }
0x7d: {  	_ =	shalt  }
0x7e: {  	_ =	shalt  }
0x7f: {  	_ =	shalt  }
0x80: {  	_ =	shalt  }
0x81: {  	_ =	shalt  }
0x82: {  	_ =	shalt  }
0x83: {  	_ =	shalt  }
0x84: {  	_ =	shalt  }
0x85: {  	_ =	shalt  }
0x86: {  	_ =	shalt  }
0x87: {  	_ =	shalt  }
.Lfunc_end0:
.L_simem_size_0:
called_computation_lowered:
.L_overlay_start_0:
0x88: {  	s0 =	sld [smem:$0x3FD9]  }
0x89: {  	s1 =	sld [smem:$0x3FFE];
	_ =	sdelay $0x3  }
0x8a: {  	s0 =	sadd.s32 s1, s0  }
0x8b: {  	[smem:$0x3FBA] =	sst s0  }
0x8c: {  	_ = 	snop  }
0x8d: {  	(tm) =	ssettm $0x1  }
0x8e: {  	s15 =	sld [smem:$0x3FFB];
	_ =	sdelay $0x3  }
0x8f: {  	_ =	strace s15  }
0x90: {  	s0 =	sld [smem:$0x3FFC];
	_ =	sdelay $0x3  }
0x91: {  	_ =	strace s0  }
0x92: {  	s0 =	sld [smem:$0x3FFD];
	_ =	sdelay $0x3  }
0x93: {  	_ =	strace s0  }
0x94: {  	_ =	strace $0x8FFFFFFF  }
0x95: {  	s16 =	sld [smem:$0x3FDB];
	_ =	sdelay $0x1  }
0x96: {  	s17 =	simm.s32 $_scs_section_size  }
0x97: {  	s2 =	simm.s32 $_size__tile_overlayer_lowered;
	s3 =	simm.s32 $_tile_overlayer_lowered  }
0x98: {  	s20 =	simm.s32 $0x1BFF;
	s19 =	sshll.u32 s3, $0x1;
	s0 =	sadd.s32 s17, s16  }
0x99: {  	s4 =	simm.s32 $0x0;
	s18 =	sshll.u32 s2, $0x1;
	s2 =	sadd.s32 s19, s0  }
0x9a: {  	[timem:s4], [sflag:s20] =	dma.local [hbm:s2], s18  }
0x9b: {  	_ =	swait.ge [sflag:s20], s18  }
0x9c: {  	s1 =	ssub.s32 $0x0, s18;
	[sflag:s20] =	ssyncset.done $0x0  }
0x9d: {  	[sflag:s20] =	ssyncadd.s32 s1;
	_ =	sdelay $0x1  }
0x9e: {  	s21 =	simm.s32 $0x1B8B  }
0x9f: {  	_ =	swait.ge [sflag:s21], $0x1  }
0xa0: {  	[sflag:s21] =	ssyncset.done $0x0  }
0xa1: {  	s23 =	simm.s32 $0x1B8E;
	s22 =	sld [smem:$0x3FFE];
	[sflag:s21] =	ssyncadd.s32 $0xFFFFFFFF  }
0xa2: {  	s24 =	simm.s32 $execute0_lowered;
	[smem:$0x3FD2] =	sst s23  }
0xa3: {  	s2 =	sshll.u32 s24, $0x1;
	_ =	strace $0x80000046;
	[dreg:$0x1] =	wrdreg $0xFFFFFFFF  }
0xa4: {  	s25 =	simm.s32 $_size_execute0_lowered;
	s0 =	sadd.s32 s0, s2;
	[dreg:$0x0] =	wrdreg $0x0  }
0xa5: {  	s2 =	sshll.u32 s25, $0x1;
	[dreg:$0x2] =	wrdreg s0  }
0xa6: {  	[dreg:$0x3] =	wrdreg s2  }
0xa7: {  	[dreg:$0x4] =	wrdreg $0xC0  }
0xa8: {  	_ =	task [dreg:s4], $0x5FFFF  }
0xa9: {  	[dreg:$0x1] =	wrdreg $0xFFFFFFFF  }
0xaa: {  	[dreg:$0x0] =	wrdreg $0x60  }
0xab: {  	[dreg:$0x2] =	wrdreg s22  }
0xac: {  	[dreg:$0x3] =	wrdreg $0x9  }
0xad: {  	_ =	task.clear_ibuf [dreg:s4], $0x4FFFF;
	_ =	strace $0x90000046  }
0xae: {  	s26 =	simm.s32 $0x9;
	_ =	strace $0x80000048  }
0xaf: {  	_ =	swait.ge [sflag:s26], $0x1  }
0xb0: {  	[sflag:s26] =	ssyncadd.s32 $0xFFFFFFFF  }
0xb1: {  	_ =	strace $0x90000048  }
0xb2: {  	_ =	sfence  }
0xb3: {  	s28 =	sld [smem:$0x0];
	_ =	sdelay $0x1  }
0xb4: {  	s29 =	srdreg.scid  }
0xb5: {  	s30 =	sshll.u32 s29, $0xD;
	s31 =	sshrl.u32 s29, $0x2  }
0xb6: {  	s1 =	sand.u32 $0x1, s29;
	s2 =	sand.u32 $0x4000, s30;
	s0 =	sadd.s32 s31, s28  }
0xb7: {  	s1 =	sor.u32 s2, s1;
	s0 =	sshll.u32 s0, $0x11  }
0xb8: {  	s0 =	sor.u32 s0, s1  }
0xb9: {  	s0 =	sadd.s32 $0x8F2B, s0  }
0xba: {  	[sflag:s0] =	ssyncadd.remote.s32 $0x1  }
0xbb: {  	_ =	sfence.sel $0xFFFF  }
0xbc: {  	[dreg:$0x0] =	wrdreg $0xFFFFFFFF;
	(pc) =	sbr.abs _section_cstart, $3  }
0xbd: {  	[dreg:$0x1] =	wrdreg $0xFFFFFFFF  }
0xbe: {  	_ =	task.clear_ibuf [dreg:s4], $0x2FFFF;
	_ =	strace $0x9FFFFFFF  }
0xbf: {  	(tm) =	ssettm $0x7FFFFFFF  }
tec
execute0_lowered:
.L_overlay_start_1:
0x0: {  	(tag) =	ssettag $0x1  }
0x1: {  	s5 =	rddreg [dreg:$0x0]  }
0x2: {  	s0 =	rddreg [dreg:$0x1];
	_ =	strace $0x80000047;
	s6 =	stileid.u32  }
0x3: {  	s3 =	simm.s32 $0x3E;
	s1 =	sadd.s32 $0x800, s5;
	p0 =	sne.s32 s6, $0x0  }
0x4: {  	[sflag:s3] =	ssyncpa.u1 $0x0;
	s4 =	simm.s32 @!p0 $0x1C3E;
	s2 =	simm.s32 @!p0 $0x0  }
0x5: {  	[spmem:s2], [sflag:s4] =	dma.local @!p0 [hbm:s1], $0x10  }
0x6: {  	s4 =	simm.s32 @!p0 $0x3E  }
0x7: {  	_ =	swait.ge @!p0 [sflag:s4], $0x10  }
0x8: {  	[sflag:s4] =	ssyncset.done @!p0 $0x0  }
0x9: {  	[sflag:s4] =	ssyncadd.s32 @!p0 $0xFFFFFFF0  }
0xa: {  	s9 =	simm.s32 $0x108;
	s7 =	sadd.s32 $0x600, s5;
	[bflag:$0x0] =	sbarrier.arrive $0xFFFF  }
0xb: {  	s6 =	sshll.u32 s6, $0x5;
	[sflag:s3] =	ssyncpa.u1 $0x1;
	s3 =	simm.s32 $0x1  }
0xc: {  	s8 =	sadd.s32 s5, s6;
	s4 =	simm.s32 $0x2;
	[sflag:s3] =	ssyncpa.u1 $0x0  }
0xd: {  	s5 =	simm.s32 $0x0;
	(ifvalue) =	ssetifvalue $0x80;
	[sflag:s4] =	ssyncpa.u1 $0x0  }
0xe: {  	[tilespmem:s9], [sflag:$0x2] =	stream.linear.gather [hbm4b:s8+s5], $0x100, $0x38;
	[tilespmem:$0x408] =	vst v63  }
0xf: {  	s23 =	simm.s32 $0x308;
	s6 =	sadd.s32 s7, s6  }
0x10: {  	[tilespmem:s23], [sflag:$0x2] =	stream.linear.gather [hbm4b:s6+s5], $0x100, $0x38;
	[tilespmem:$0x408] =	vst v63  }
0x11: {  	_ =	swait.ge [sflag:s4], $0x200  }
0x12: {  	[sflag:s4] =	ssyncset.done $0x0  }
0x13: {  	[sflag:s4] =	ssyncadd.s32 $0xFFFFFE00  }
0x14: {  	v0 =	vld.msk [tilespmem:s9+$0x0 ss:$0x1], $0xffff;
	_ =	sdelay $0x4  }
0x15: {  	v0 =	vmin.u32 v0, $0x80;
	_ =	sdelay $0x3  }
0x16: {  	vm0 =	vmmov $0xffff;
	s24 =	simm.s32 $0x118  }
0x17: {  	[spmem:s5] =	stream.indirect_vreg.scatter.add.s32 [tilespmem:s23], [sflag:$0x1], $0x1, v0, vm0, $0x4038;
	[tilespmem:$0x408] =	vst v63  }
0x18: {  	v0 =	vld.msk [tilespmem:s24+$0x0 ss:$0x1], $0xffff;
	_ =	sdelay $0x4  }
0x19: {  	v0 =	vmin.u32 v0, $0x80;
	_ =	sdelay $0x3  }
0x1a: {  	s25 =	simm.s32 $0x318;
	s26 =	simm.s32 $0x128  }
0x1b: {  	[spmem:s5] =	stream.indirect_vreg.scatter.add.s32 [tilespmem:s25], [sflag:$0x1], $0x1, v0, vm0, $0x4038;
	[tilespmem:$0x408] =	vst v63  }
0x1c: {  	v0 =	vld.msk [tilespmem:s26+$0x0 ss:$0x1], $0xffff;
	_ =	sdelay $0x4  }
0x1d: {  	v0 =	vmin.u32 v0, $0x80;
	_ =	sdelay $0x3  }
0x1e: {  	s28 =	simm.s32 $0x328;
	s29 =	simm.s32 $0x138  }
0x1f: {  	[spmem:s5] =	stream.indirect_vreg.scatter.add.s32 [tilespmem:s28], [sflag:$0x1], $0x1, v0, vm0, $0x4038;
	[tilespmem:$0x408] =	vst v63  }
0x20: {  	v0 =	vld.msk [tilespmem:s29+$0x0 ss:$0x1], $0xffff;
	_ =	sdelay $0x4  }
0x21: {  	v0 =	vmin.u32 v0, $0x80;
	_ =	sdelay $0x3  }
0x22: {  	s30 =	simm.s32 $0x338;
	s31 =	simm.s32 $0x148  }
0x23: {  	[spmem:s5] =	stream.indirect_vreg.scatter.add.s32 [tilespmem:s30], [sflag:$0x1], $0x1, v0, vm0, $0x4038;
	[tilespmem:$0x408] =	vst v63  }
0x24: {  	v0 =	vld.msk [tilespmem:s31+$0x0 ss:$0x1], $0xffff;
	_ =	sdelay $0x4  }
0x25: {  	v0 =	vmin.u32 v0, $0x80;
	_ =	sdelay $0x3  }
0x26: {  	s7 =	simm.s32 $0x348;
	s8 =	simm.s32 $0x158  }
0x27: {  	[spmem:s5] =	stream.indirect_vreg.scatter.add.s32 [tilespmem:s7], [sflag:$0x1], $0x1, v0, vm0, $0x4038;
	[tilespmem:$0x408] =	vst v63  }
0x28: {  	v0 =	vld.msk [tilespmem:s8+$0x0 ss:$0x1], $0xffff;
	_ =	sdelay $0x4  }
0x29: {  	v0 =	vmin.u32 v0, $0x80;
	_ =	sdelay $0x3  }
0x2a: {  	s10 =	simm.s32 $0x168;
	s9 =	simm.s32 $0x358  }
0x2b: {  	[spmem:s5] =	stream.indirect_vreg.scatter.add.s32 [tilespmem:s9], [sflag:$0x1], $0x1, v0, vm0, $0x4038;
	[tilespmem:$0x408] =	vst v63  }
0x2c: {  	v0 =	vld.msk [tilespmem:s10+$0x0 ss:$0x1], $0xffff;
	_ =	sdelay $0x4  }
0x2d: {  	v0 =	vmin.u32 v0, $0x80;
	_ =	sdelay $0x3  }
0x2e: {  	s11 =	simm.s32 $0x368;
	s12 =	simm.s32 $0x178  }
0x2f: {  	[spmem:s5] =	stream.indirect_vreg.scatter.add.s32 [tilespmem:s11], [sflag:$0x1], $0x1, v0, vm0, $0x4038;
	[tilespmem:$0x408] =	vst v63  }
0x30: {  	v0 =	vld.msk [tilespmem:s12+$0x0 ss:$0x1], $0xffff;
	_ =	sdelay $0x4  }
0x31: {  	v0 =	vmin.u32 v0, $0x80;
	_ =	sdelay $0x3  }
0x32: {  	s13 =	simm.s32 $0x378;
	s14 =	simm.s32 $0x188  }
0x33: {  	[spmem:s5] =	stream.indirect_vreg.scatter.add.s32 [tilespmem:s13], [sflag:$0x1], $0x1, v0, vm0, $0x4038;
	[tilespmem:$0x408] =	vst v63  }
0x34: {  	v0 =	vld.msk [tilespmem:s14+$0x0 ss:$0x1], $0xffff;
	_ =	sdelay $0x4  }
0x35: {  	v0 =	vmin.u32 v0, $0x80;
	_ =	sdelay $0x3  }
0x36: {  	s15 =	simm.s32 $0x388;
	s16 =	simm.s32 $0x198  }
0x37: {  	[spmem:s5] =	stream.indirect_vreg.scatter.add.s32 [tilespmem:s15], [sflag:$0x1], $0x1, v0, vm0, $0x4038;
	[tilespmem:$0x408] =	vst v63  }
0x38: {  	v0 =	vld.msk [tilespmem:s16+$0x0 ss:$0x1], $0xffff;
	_ =	sdelay $0x4  }
0x39: {  	v0 =	vmin.u32 v0, $0x80;
	_ =	sdelay $0x3  }
0x3a: {  	s17 =	simm.s32 $0x398;
	s18 =	simm.s32 $0x1A8  }
0x3b: {  	[spmem:s5] =	stream.indirect_vreg.scatter.add.s32 [tilespmem:s17], [sflag:$0x1], $0x1, v0, vm0, $0x4038;
	[tilespmem:$0x408] =	vst v63  }
0x3c: {  	v0 =	vld.msk [tilespmem:s18+$0x0 ss:$0x1], $0xffff;
	_ =	sdelay $0x4  }
0x3d: {  	v0 =	vmin.u32 v0, $0x80;
	_ =	sdelay $0x3  }
0x3e: {  	s19 =	simm.s32 $0x3A8;
	s20 =	simm.s32 $0x1B8  }
0x3f: {  	[spmem:s5] =	stream.indirect_vreg.scatter.add.s32 [tilespmem:s19], [sflag:$0x1], $0x1, v0, vm0, $0x4038;
	[tilespmem:$0x408] =	vst v63  }
0x40: {  	v0 =	vld.msk [tilespmem:s20+$0x0 ss:$0x1], $0xffff;
	_ =	sdelay $0x4  }
0x41: {  	v0 =	vmin.u32 v0, $0x80;
	_ =	sdelay $0x3  }
0x42: {  	s21 =	simm.s32 $0x3B8;
	s22 =	simm.s32 $0x1C8  }
0x43: {  	[spmem:s5] =	stream.indirect_vreg.scatter.add.s32 [tilespmem:s21], [sflag:$0x1], $0x1, v0, vm0, $0x4038;
	[tilespmem:$0x408] =	vst v63  }
0x44: {  	v0 =	vld.msk [tilespmem:s22+$0x0 ss:$0x1], $0xffff;
	_ =	sdelay $0x4  }
0x45: {  	v0 =	vmin.u32 v0, $0x80;
	_ =	sdelay $0x3  }
0x46: {  	s23 =	simm.s32 $0x3C8;
	s24 =	simm.s32 $0x1D8  }
0x47: {  	[spmem:s5] =	stream.indirect_vreg.scatter.add.s32 [tilespmem:s23], [sflag:$0x1], $0x1, v0, vm0, $0x4038;
	[tilespmem:$0x408] =	vst v63  }
0x48: {  	v0 =	vld.msk [tilespmem:s24+$0x0 ss:$0x1], $0xffff;
	_ =	sdelay $0x4  }
0x49: {  	v0 =	vmin.u32 v0, $0x80;
	_ =	sdelay $0x3  }
0x4a: {  	s25 =	simm.s32 $0x3D8;
	s26 =	simm.s32 $0x1E8  }
0x4b: {  	[spmem:s5] =	stream.indirect_vreg.scatter.add.s32 [tilespmem:s25], [sflag:$0x1], $0x1, v0, vm0, $0x4038;
	[tilespmem:$0x408] =	vst v63  }
0x4c: {  	v0 =	vld.msk [tilespmem:s26+$0x0 ss:$0x1], $0xffff;
	_ =	sdelay $0x4  }
0x4d: {  	v0 =	vmin.u32 v0, $0x80;
	_ =	sdelay $0x3  }
0x4e: {  	s28 =	simm.s32 $0x3E8;
	s29 =	simm.s32 $0x1F8  }
0x4f: {  	[spmem:s5] =	stream.indirect_vreg.scatter.add.s32 [tilespmem:s28], [sflag:$0x1], $0x1, v0, vm0, $0x4038;
	[tilespmem:$0x408] =	vst v63  }
0x50: {  	v0 =	vld.msk [tilespmem:s29+$0x0 ss:$0x1], $0xffff;
	_ =	sdelay $0x4  }
0x51: {  	v0 =	vmin.u32 v0, $0x80;
	_ =	sdelay $0x3  }
0x52: {  	s30 =	simm.s32 $0x3F8  }
0x53: {  	[spmem:s5] =	stream.indirect_vreg.scatter.add.s32 [tilespmem:s30], [sflag:$0x1], $0x1, v0, vm0, $0x4038;
	[tilespmem:$0x408] =	vst v63  }
0x54: {  	_ =	swait.ge [sflag:s3], $0x100  }
0x55: {  	[sflag:s3] =	ssyncset.done $0x0  }
0x56: {  	[sflag:s3] =	ssyncadd.s32 $0xFFFFFF00  }
0x57: {  	_ =	sfence.sel $0x180000  }
0x58: {  	[bflag:$0x0] =	sbarrier.arrive $0xFFFF  }
0x59: {  	[sflag:s4] =	ssyncpa.u1 $0x1  }
0x5a: {  	[sflag:s3] =	ssyncpa.u1 $0x1  }
0x5b: {  	_ =	sfence.stream.spmem  }
0x5c: {  	s31 =	simm.s32 $0x3D;
	[bflag:$0x0] =	sbarrier.arrive $0xFFFF  }
0x5d: {  	s3 =	simm.s32 @p0 $0x3D;
	[sflag:s31] =	ssyncpa.u1 $0x0  }
0x5e: {  	[sflag:s3] =	ssyncpa.u1 @p0 $0x1  }
0x5f: {  	[bflag:$0x0] =	sbarrier.arrive @p0 $0xFFFF  }
0x60: {  	_ =	strace @p0 $0x90000047  }
0x61: {  	s3 =	simm.s32 @!p0 $0x1C3D;
	[bflag:$0x2] =	sbarrier.arrive @p0 $0xFFFF  }
0x62: {  	[hbm:s1], [sflag:s3] =	dma.local @!p0 [spmem:s2], $0x10  }
0x63: {  	s1 =	simm.s32 @!p0 $0x3D  }
0x64: {  	_ =	swait.ge @!p0 [sflag:s1], $0x10  }
0x65: {  	[sflag:s1] =	ssyncset.done @!p0 $0x0  }
0x66: {  	[sflag:s1] =	ssyncadd.s32 @!p0 $0xFFFFFFF0  }
0x67: {  	[sflag:s1] =	ssyncpa.u1 @!p0 $0x1  }
0x68: {  	[bflag:$0x0] =	sbarrier.arrive @!p0 $0xFFFF  }
0x69: {  	_ =	strace @!p0 $0x90000047  }
0x6a: {  	s0 =	sadd.s32 @!p0 $0x100000, s0;
	[bflag:$0x2] =	sbarrier.arrive @!p0 $0xFFFF  }
0x6b: {  	[sflag:s0] =	ssyncadd.tile.s32 @!p0 $0x1;
	_ =	shalt  }
.Lfunc_end2:
_tile_overlayer_lowered:
.L_overlay_start_2:
0x6c: {  	(tag) =	ssettag $0x2  }
0x6d: {  	s0 =	rddreg [dreg:$0x0];
	s2 =	stileid.u32  }
0x6e: {  	s1 =	rddreg [dreg:$0x1];
	p0 =	sne.s32 s2, $0x0  }
0x6f: {  	s3 =	rddreg [dreg:$0x2];
	[bflag:$0x3] =	sbarrier.arrive $0xFFFF;
	s2 =	simm.s32 @!p0 $0x1C01  }
0x70: {  	[timem:s3], [sflag:s2] =	dma.local @!p0 [hbm:s0], s1  }
0x71: {  	s0 =	simm.s32 @!p0 $0x1  }
0x72: {  	_ =	swait.ge @!p0 [sflag:s0], s1  }
0x73: {  	s1 =	ssub.s32 @!p0 $0x0, s1;
	[sflag:s0] =	ssyncset.done @!p0 $0x0  }
0x74: {  	[sflag:s0] =	ssyncadd.s32 @!p0 s1  }
0x75: {  	[bflag:$0x3] =	sbarrier.arrive $0xFFFF  }
0x76: {  	_ =	shalt  }

</sc_bundles>
